<compile_context>
chip_gen: v7x
topology: tpu7x:2x2x1
jax: 0.10.2.dev20260603
libtpu: 0.0.44.dev20260713+nightly
codegen_flags: <defaults>
</compile_context>

<pallas_src>
import functools

import jax
import jax.numpy as jnp
from jax import lax
from jax.experimental import pallas as pl
from jax.experimental.pallas import tpu as pltpu
from jax.experimental.pallas import tpu_sc as plsc

N = 10000
D = 256
E = 160000
NC = 2
NS = 16
NW = NC * NS
LANES = 16
WIN = 320
AROWS = WIN + 1
BLK = 1600
VPB = BLK // LANES
NBLK = E // BLK
NB2 = NBLK // 2
CAP = 5504
PEND = CAP + 32
SLOTS = 32
ROUNDS = CAP // SLOTS
R2 = ROUNDS // 2
ROW_VECS = D // LANES


def _sc_body(x_hbm, meta_hbm, out_hbm,
             mb_a, mb_b, pend_col, pend_loc, pend_w, tmp16, cntbuf,
             gb_a, gb_b, acc, sxa, sxb, sma, smb):
    c = lax.axis_index("c")
    s = lax.axis_index("s")
    wid = s * NC + c
    base_row = wid * WIN

    zeros16 = jnp.zeros((LANES,), jnp.float32)
    zeros16i = jnp.zeros((LANES,), jnp.int32)

    def zero_acc_row(r, _):
        for j in range(ROW_VECS):
            acc[r, pl.ds(j * LANES, LANES)] = zeros16
        return 0

    lax.fori_loop(0, AROWS, zero_acc_row, 0)

    def init_pend(k, _):
        iota16 = lax.iota(jnp.int32, LANES)
        sl = pl.ds(k * LANES, LANES)
        slot = k * LANES + iota16
        pend_col[sl] = (wid * 300 + slot) % N
        pend_loc[sl] = zeros16i + WIN
        pend_w[sl] = zeros16
        return 0

    lax.fori_loop(0, PEND // LANES, init_pend, 0)
    cntbuf[pl.ds(0, LANES)] = zeros16i

    def issue_m(b, mb, sm):
        pltpu.async_copy(meta_hbm.at[b], mb, sm)

    def wait_m(b, mb, sm):
        pltpu.make_async_copy(meta_hbm.at[b], mb, sm).wait()

    def scan_block(b, mb):
        off = b * BLK

        def vreg_body(k4, _):
            iota16 = lax.iota(jnp.int32, LANES)
            sls = [pl.ds((4 * k4 + i) * LANES, LANES) for i in range(4)]
            cnt_vec = cntbuf[pl.ds(0, LANES)]
            locals_ = [mb[0, s] - base_row for s in sls]
            ms = [(lo >= 0) & (lo < WIN) for lo in locals_]
            csums = [plsc.cumsum(jnp.where(mm, 1, 0)) for mm in ms]
            for i in range(4):
                tmp16[pl.ds(i * LANES, LANES)] = csums[i]
            nps = [plsc.load_gather(tmp16,
                                    [zeros16i + ((i + 1) * LANES - 1)])
                   for i in range(4)]
            cnt = cnt_vec
            for i in range(4):
                pos = jnp.where(
                    ms[i], jnp.minimum(csums[i] + (cnt - 1), CAP + iota16),
                    (CAP + LANES) + iota16)
                plsc.store_scatter(pend_col, [pos], mb[1, sls[i]])
                plsc.store_scatter(pend_loc, [pos], locals_[i])
                plsc.store_scatter(pend_w, [pos],
                                   plsc.bitcast(mb[2, sls[i]], jnp.float32))
                cnt = cnt + nps[i]
            cntbuf[pl.ds(0, LANES)] = cnt
            return 0

        lax.fori_loop(0, VPB // 4, vreg_body, 0)

    issue_m(0, mb_a, sma)

    def block2_body(b2, _):
        ba = 2 * b2
        issue_m(ba + 1, mb_b, smb)
        wait_m(ba, mb_a, sma)
        scan_block(ba, mb_a)
        lax.cond(ba + 2 < NBLK,
                 lambda: issue_m(ba + 2, mb_a, sma),
                 lambda: None)
        wait_m(ba + 1, mb_b, smb)
        scan_block(ba + 1, mb_b)
        return 0

    lax.fori_loop(0, NB2, block2_body, 0)

    def issue(rr, gb, sx):
        csl = pend_col.at[pl.ds(rr * SLOTS, SLOTS)]
        pltpu.async_copy(x_hbm.at[csl], gb, sx)

    def wait(rr, gb, sx):
        csl = pend_col.at[pl.ds(rr * SLOTS, SLOTS)]
        pltpu.make_async_copy(x_hbm.at[csl], gb, sx).wait()

    def process(rr, gb):
        base = rr * SLOTS

        def edge_body(e, _):
            iota16 = lax.iota(jnp.int32, LANES)
            lr = plsc.load_gather(pend_loc, [zeros16i + (base + e)])
            wv = plsc.load_gather(pend_w, [zeros16i + (base + e)])
            for j in range(ROW_VECS):
                plsc.addupdate_scatter(
                    acc, [lr, iota16 + j * LANES],
                    gb[e, pl.ds(j * LANES, LANES)] * wv)
            return 0

        lax.fori_loop(0, SLOTS, edge_body, 0)

    issue(0, gb_a, sxa)

    def round2_body(r2, _):
        ra = 2 * r2
        issue(ra + 1, gb_b, sxb)
        wait(ra, gb_a, sxa)
        process(ra, gb_a)
        lax.cond(ra + 2 < ROUNDS,
                 lambda: issue(ra + 2, gb_a, sxa),
                 lambda: None)
        wait(ra + 1, gb_b, sxb)
        process(ra + 1, gb_b)
        return 0

    lax.fori_loop(0, R2, round2_body, 0)

    tail = N - (NW - 1) * WIN

    def write_last():
        pltpu.sync_copy(acc.at[pl.ds(0, tail)],
                        out_hbm.at[pl.ds(base_row, tail)])

    def write_full():
        pltpu.sync_copy(acc.at[pl.ds(0, WIN)],
                        out_hbm.at[pl.ds(base_row, WIN)])

    lax.cond(wid == NW - 1, write_last, write_full)


def _sc_call(x, meta):
    return pl.kernel(
        _sc_body,
        out_type=jax.ShapeDtypeStruct((N, D), jnp.float32),
        mesh=plsc.VectorSubcoreMesh(core_axis_name="c", subcore_axis_name="s"),
        compiler_params=pltpu.CompilerParams(needs_layout_passes=False),
        scratch_types=[
            pltpu.VMEM((3, BLK), jnp.int32),
            pltpu.VMEM((3, BLK), jnp.int32),
            pltpu.VMEM((PEND,), jnp.int32),
            pltpu.VMEM((PEND,), jnp.int32),
            pltpu.VMEM((PEND,), jnp.float32),
            pltpu.VMEM((4 * LANES,), jnp.int32),
            pltpu.VMEM((LANES,), jnp.int32),
            pltpu.VMEM((SLOTS, D), jnp.float32),
            pltpu.VMEM((SLOTS, D), jnp.float32),
            pltpu.VMEM((AROWS, D), jnp.float32),
            pltpu.SemaphoreType.DMA,
            pltpu.SemaphoreType.DMA,
            pltpu.SemaphoreType.DMA,
            pltpu.SemaphoreType.DMA,
        ],
    )(x, meta)


def _mm_body(a_ref, w_ref, b_ref, o_ref):
    o_ref[...] = jnp.dot(a_ref[...], w_ref[...],
                         preferred_element_type=jnp.float32) + b_ref[...]


def _matmul_bias(agg, weight, bias2d):
    blk = 400
    return pl.pallas_call(
        _mm_body,
        grid=(N // blk,),
        in_specs=[
            pl.BlockSpec((blk, D), lambda i: (i, 0)),
            pl.BlockSpec((D, D), lambda i: (0, 0)),
            pl.BlockSpec((1, D), lambda i: (0, 0)),
        ],
        out_specs=pl.BlockSpec((blk, D), lambda i: (i, 0)),
        out_shape=jax.ShapeDtypeStruct((N, D), jnp.float32),
    )(agg, weight, bias2d)


def kernel(inputs, edge_index, edge_weight, weight, bias):
    row = edge_index[0].astype(jnp.int32)
    col = edge_index[1].astype(jnp.int32)
    w_bits = lax.bitcast_convert_type(edge_weight, jnp.int32)
    meta = (jnp.stack([row, col, w_bits])
            .reshape(3, NBLK, BLK).transpose(1, 0, 2))
    agg = _sc_call(inputs, meta)
    return _matmul_bias(agg, weight, bias.reshape(1, D))

# --- scband reference (transcript-rebuilt; emitter-appended) ---
"""Pipeline reference for scband-graph-convolution-43903155699903 (READ-ONLY COPY).

The authoritative reference and input builder live on the scoring server;
editing this copy changes nothing except your own understanding.
"""

import jax, jax.numpy as jnp
import numpy as np

N = 10000
E = 160000
D_IN = 256
D_OUT = 256


def setup_inputs(seed: int = 0) -> dict:
    key = jax.random.key(seed)
    k1, k2, k3, k4 = jax.random.split(key, 4)
    inputs = jax.random.normal(k1, (N, D_IN), dtype=jnp.float32)
    edge_index = jax.random.randint(k2, (2, E), 0, N)
    edge_weight = jax.random.uniform(k3, (E,), dtype=jnp.float32)
    # Xavier-uniform weight per module's reset_parameters('Xavier')
    init_range = np.sqrt(6.0 / (D_IN + D_OUT))
    weight = jax.random.uniform(k4, (D_IN, D_OUT), dtype=jnp.float32,
                                minval=-init_range, maxval=init_range)
    bias = jnp.zeros((D_OUT,), dtype=jnp.float32)
    return {"inputs": inputs, "edge_index": edge_index,
            "edge_weight": edge_weight, "weight": weight, "bias": bias}


def reference(inputs, edge_index, edge_weight, weight, bias):
    # support = inputs @ W   (dense mm)
    support = jnp.dot(inputs, weight)
    # outputs = adj @ support, where adj is a sparse COO matrix with
    # rows=edge_index[0], cols=edge_index[1], values=edge_weight.
    # out[i] = sum_{e: row_e == i} w_e * support[col_e]
    row = edge_index[0]
    col = edge_index[1]
    msgs = jnp.take(support, col, axis=0) * edge_weight[:, None]  # gather
    outputs = jax.ops.segment_sum(msgs, row, num_segments=N)       # scatter-add
    return outputs + bias

if __name__ == "__main__":
    import jax
    _d = setup_inputs()
    print(jax.jit(kernel)(*tuple(_d.values())))

</pallas_src>

<mosaic_0001>
#map = affine_map<(d0, d1) -> (0, 0)>
#map1 = affine_map<(d0, d1) -> (0, 0, 0)>
module attributes {stable_mosaic.version = 14 : i64} {
  func.func @_sc_body(%arg0: i32, %arg1: i32, %arg2: memref<10000x256xf32, #tpu.memory_space<hbm>>, %arg3: memref<100x3x1600xi32, #tpu.memory_space<hbm>>, %arg4: memref<10000x256xf32, #tpu.memory_space<hbm>>, %arg5: memref<3x1600xi32, #tpu.memory_space<vmem>>, %arg6: memref<3x1600xi32, #tpu.memory_space<vmem>>, %arg7: memref<5536xi32, #tpu.memory_space<vmem>>, %arg8: memref<5536xi32, #tpu.memory_space<vmem>>, %arg9: memref<5536xf32, #tpu.memory_space<vmem>>, %arg10: memref<64xi32, #tpu.memory_space<vmem>>, %arg11: memref<16xi32, #tpu.memory_space<vmem>>, %arg12: memref<32x256xf32, #tpu.memory_space<vmem>>, %arg13: memref<32x256xf32, #tpu.memory_space<vmem>>, %arg14: memref<321x256xf32, #tpu.memory_space<vmem>>, %arg15: memref<!tpu.dma_semaphore, #tpu.memory_space<semaphore_mem>>, %arg16: memref<!tpu.dma_semaphore, #tpu.memory_space<semaphore_mem>>, %arg17: memref<!tpu.dma_semaphore, #tpu.memory_space<semaphore_mem>>, %arg18: memref<!tpu.dma_semaphore, #tpu.memory_space<semaphore_mem>>) attributes {dimension_semantics = [#tpu.dimension_semantics<core_parallel>, #tpu.dimension_semantics<subcore_parallel>], iteration_bounds = array<i64: 2, 16>, scalar_prefetch = 0 : i64, scratch_operands = 14 : i64, tpu.core_type = #tpu.core_type<sc_vector_subcore>, window_params = [{transform_indices = #map}, {transform_indices = #map1}, {transform_indices = #map}]} {
    %mul3A = arith.constant 2 : i32
    %mul3A_0 = arith.muli %arg1, %mul3A : i32
    %add3A = arith.addi %mul3A_0, %arg0 : i32
    %mul3A_1 = arith.constant 320 : i32
    %mul3A_2 = arith.muli %add3A, %mul3A_1 : i32
    %broadcast_in_dim3A = arith.constant 0.000000e+00 : f32
    %broadcast_in_dim3A_3 = vector.broadcast %broadcast_in_dim3A : f32 to vector<16xf32>
    %broadcast_in_dim3A_4 = arith.constant 0 : i32
    %broadcast_in_dim3A_5 = vector.broadcast %broadcast_in_dim3A_4 : i32 to vector<16xi32>
    %scan3A = arith.constant 0 : i32
    %scan3A_6 = arith.constant 0 : i32
    %scan3A_7 = arith.constant 321 : i32
    %scan3A_8 = arith.addi %scan3A_6, %scan3A_7 : i32
    %scan3A_9 = arith.constant 1 : i32
    %scan3A_10 = scf.for %scan3A_49 = %scan3A_6 to %scan3A_8 step %scan3A_9 iter_args(%scan3A_50 = %scan3A) -> (i32)  : i32 {
      %swap3A_51 = arith.index_cast %scan3A_49 : i32 to index
      %swap3A_52 = arith.constant 0 : index
      %swap3A_53 = tpu.vector_load %arg14[%swap3A_51, %swap3A_52] {strides = array<i32>} : memref<321x256xf32, #tpu.memory_space<vmem>>, vector<16xf32>,
      tpu.vector_store %arg14[%swap3A_51, %swap3A_52], %broadcast_in_dim3A_3 {strides = array<i32>} : memref<321x256xf32, #tpu.memory_space<vmem>>, vector<16xf32>,
      %swap3A_54 = arith.index_cast %scan3A_49 : i32 to index
      %swap3A_55 = arith.constant 16 : index
      %swap3A_56 = tpu.vector_load %arg14[%swap3A_54, %swap3A_55] {strides = array<i32>} : memref<321x256xf32, #tpu.memory_space<vmem>>, vector<16xf32>,
      tpu.vector_store %arg14[%swap3A_54, %swap3A_55], %broadcast_in_dim3A_3 {strides = array<i32>} : memref<321x256xf32, #tpu.memory_space<vmem>>, vector<16xf32>,
      %swap3A_57 = arith.index_cast %scan3A_49 : i32 to index
      %swap3A_58 = arith.constant 32 : index
      %swap3A_59 = tpu.vector_load %arg14[%swap3A_57, %swap3A_58] {strides = array<i32>} : memref<321x256xf32, #tpu.memory_space<vmem>>, vector<16xf32>,
      tpu.vector_store %arg14[%swap3A_57, %swap3A_58], %broadcast_in_dim3A_3 {strides = array<i32>} : memref<321x256xf32, #tpu.memory_space<vmem>>, vector<16xf32>,
      %swap3A_60 = arith.index_cast %scan3A_49 : i32 to index
      %swap3A_61 = arith.constant 48 : index
      %swap3A_62 = tpu.vector_load %arg14[%swap3A_60, %swap3A_61] {strides = array<i32>} : memref<321x256xf32, #tpu.memory_space<vmem>>, vector<16xf32>,
      tpu.vector_store %arg14[%swap3A_60, %swap3A_61], %broadcast_in_dim3A_3 {strides = array<i32>} : memref<321x256xf32, #tpu.memory_space<vmem>>, vector<16xf32>,
      %swap3A_63 = arith.index_cast %scan3A_49 : i32 to index
      %swap3A_64 = arith.constant 64 : index
      %swap3A_65 = tpu.vector_load %arg14[%swap3A_63, %swap3A_64] {strides = array<i32>} : memref<321x256xf32, #tpu.memory_space<vmem>>, vector<16xf32>,
      tpu.vector_store %arg14[%swap3A_63, %swap3A_64], %broadcast_in_dim3A_3 {strides = array<i32>} : memref<321x256xf32, #tpu.memory_space<vmem>>, vector<16xf32>,
      %swap3A_66 = arith.index_cast %scan3A_49 : i32 to index
      %swap3A_67 = arith.constant 80 : index
      %swap3A_68 = tpu.vector_load %arg14[%swap3A_66, %swap3A_67] {strides = array<i32>} : memref<321x256xf32, #tpu.memory_space<vmem>>, vector<16xf32>,
      tpu.vector_store %arg14[%swap3A_66, %swap3A_67], %broadcast_in_dim3A_3 {strides = array<i32>} : memref<321x256xf32, #tpu.memory_space<vmem>>, vector<16xf32>,
      %swap3A_69 = arith.index_cast %scan3A_49 : i32 to index
      %swap3A_70 = arith.constant 96 : index
      %swap3A_71 = tpu.vector_load %arg14[%swap3A_69, %swap3A_70] {strides = array<i32>} : memref<321x256xf32, #tpu.memory_space<vmem>>, vector<16xf32>,
      tpu.vector_store %arg14[%swap3A_69, %swap3A_70], %broadcast_in_dim3A_3 {strides = array<i32>} : memref<321x256xf32, #tpu.memory_space<vmem>>, vector<16xf32>,
      %swap3A_72 = arith.index_cast %scan3A_49 : i32 to index
      %swap3A_73 = arith.constant 112 : index
      %swap3A_74 = tpu.vector_load %arg14[%swap3A_72, %swap3A_73] {strides = array<i32>} : memref<321x256xf32, #tpu.memory_space<vmem>>, vector<16xf32>,
      tpu.vector_store %arg14[%swap3A_72, %swap3A_73], %broadcast_in_dim3A_3 {strides = array<i32>} : memref<321x256xf32, #tpu.memory_space<vmem>>, vector<16xf32>,
      %swap3A_75 = arith.index_cast %scan3A_49 : i32 to index
      %swap3A_76 = arith.constant 128 : index
      %swap3A_77 = tpu.vector_load %arg14[%swap3A_75, %swap3A_76] {strides = array<i32>} : memref<321x256xf32, #tpu.memory_space<vmem>>, vector<16xf32>,
      tpu.vector_store %arg14[%swap3A_75, %swap3A_76], %broadcast_in_dim3A_3 {strides = array<i32>} : memref<321x256xf32, #tpu.memory_space<vmem>>, vector<16xf32>,
      %swap3A_78 = arith.index_cast %scan3A_49 : i32 to index
      %swap3A_79 = arith.constant 144 : index
      %swap3A_80 = tpu.vector_load %arg14[%swap3A_78, %swap3A_79] {strides = array<i32>} : memref<321x256xf32, #tpu.memory_space<vmem>>, vector<16xf32>,
      tpu.vector_store %arg14[%swap3A_78, %swap3A_79], %broadcast_in_dim3A_3 {strides = array<i32>} : memref<321x256xf32, #tpu.memory_space<vmem>>, vector<16xf32>,
      %swap3A_81 = arith.index_cast %scan3A_49 : i32 to index
      %swap3A_82 = arith.constant 160 : index
      %swap3A_83 = tpu.vector_load %arg14[%swap3A_81, %swap3A_82] {strides = array<i32>} : memref<321x256xf32, #tpu.memory_space<vmem>>, vector<16xf32>,
      tpu.vector_store %arg14[%swap3A_81, %swap3A_82], %broadcast_in_dim3A_3 {strides = array<i32>} : memref<321x256xf32, #tpu.memory_space<vmem>>, vector<16xf32>,
      %swap3A_84 = arith.index_cast %scan3A_49 : i32 to index
      %swap3A_85 = arith.constant 176 : index
      %swap3A_86 = tpu.vector_load %arg14[%swap3A_84, %swap3A_85] {strides = array<i32>} : memref<321x256xf32, #tpu.memory_space<vmem>>, vector<16xf32>,
      tpu.vector_store %arg14[%swap3A_84, %swap3A_85], %broadcast_in_dim3A_3 {strides = array<i32>} : memref<321x256xf32, #tpu.memory_space<vmem>>, vector<16xf32>,
      %swap3A_87 = arith.index_cast %scan3A_49 : i32 to index
      %swap3A_88 = arith.constant 192 : index
      %swap3A_89 = tpu.vector_load %arg14[%swap3A_87, %swap3A_88] {strides = array<i32>} : memref<321x256xf32, #tpu.memory_space<vmem>>, vector<16xf32>,
      tpu.vector_store %arg14[%swap3A_87, %swap3A_88], %broadcast_in_dim3A_3 {strides = array<i32>} : memref<321x256xf32, #tpu.memory_space<vmem>>, vector<16xf32>,
      %swap3A_90 = arith.index_cast %scan3A_49 : i32 to index
      %swap3A_91 = arith.constant 208 : index
      %swap3A_92 = tpu.vector_load %arg14[%swap3A_90, %swap3A_91] {strides = array<i32>} : memref<321x256xf32, #tpu.memory_space<vmem>>, vector<16xf32>,
      tpu.vector_store %arg14[%swap3A_90, %swap3A_91], %broadcast_in_dim3A_3 {strides = array<i32>} : memref<321x256xf32, #tpu.memory_space<vmem>>, vector<16xf32>,
      %swap3A_93 = arith.index_cast %scan3A_49 : i32 to index
      %swap3A_94 = arith.constant 224 : index
      %swap3A_95 = tpu.vector_load %arg14[%swap3A_93, %swap3A_94] {strides = array<i32>} : memref<321x256xf32, #tpu.memory_space<vmem>>, vector<16xf32>,
      tpu.vector_store %arg14[%swap3A_93, %swap3A_94], %broadcast_in_dim3A_3 {strides = array<i32>} : memref<321x256xf32, #tpu.memory_space<vmem>>, vector<16xf32>,
      %swap3A_96 = arith.index_cast %scan3A_49 : i32 to index
      %swap3A_97 = arith.constant 240 : index
      %swap3A_98 = tpu.vector_load %arg14[%swap3A_96, %swap3A_97] {strides = array<i32>} : memref<321x256xf32, #tpu.memory_space<vmem>>, vector<16xf32>,
      tpu.vector_store %arg14[%swap3A_96, %swap3A_97], %broadcast_in_dim3A_3 {strides = array<i32>} : memref<321x256xf32, #tpu.memory_space<vmem>>, vector<16xf32>,
      %scan3A_99 = arith.constant 0 : i32
      scf.yield %scan3A_99 : i32
    }
    %scan3A_11 = arith.constant 321 : i32
    %scan3A_12 = arith.constant 0 : i32
    %scan3A_13 = arith.constant 0 : i32
    %scan3A_14 = arith.constant 346 : i32
    %scan3A_15 = arith.addi %scan3A_13, %scan3A_14 : i32
    %scan3A_16 = arith.constant 1 : i32
    %scan3A_17 = scf.for %scan3A_49 = %scan3A_13 to %scan3A_15 step %scan3A_16 iter_args(%scan3A_50 = %scan3A_12) -> (i32)  : i32 {
      %iota3A = tpu.iota {dimensions = array<i32: 0>} : vector<16xi32>
      %mul3A_51 = arith.constant 16 : i32
      %mul3A_52 = arith.muli %scan3A_49, %mul3A_51 : i32
      %mul3A_53 = arith.constant 16 : i32
      %mul3A_54 = arith.muli %scan3A_49, %mul3A_53 : i32
      %add3A_55 = vector.broadcast %mul3A_54 : i32 to vector<16xi32>
      %add3A_56 = arith.addi %add3A_55, %iota3A : vector<16xi32>
      %mul3A_57 = arith.constant 300 : i32
      %mul3A_58 = arith.muli %add3A, %mul3A_57 : i32
      %add3A_59 = vector.broadcast %mul3A_58 : i32 to vector<16xi32>
      %add3A_60 = arith.addi %add3A_59, %add3A_56 : vector<16xi32>
      %jit3A = arith.constant 10000 : i32
      %eq3A_61 = arith.constant 0 : i32
      %eq3A_62 = arith.cmpi eq, %jit3A, %eq3A_61 : i32
      %jit3A_63 = arith.constant 1 : i32
      %select_n3A = arith.select %eq3A_62, %jit3A_63, %jit3A : i32
      %rem3A = vector.broadcast %select_n3A : i32 to vector<16xi32>
      %rem3A_64 = arith.remsi %add3A_60, %rem3A : vector<16xi32>
      %ne3A = arith.constant 0 : i32
      %ne3A_65 = vector.broadcast %ne3A : i32 to vector<16xi32>
      %ne3A_66 = arith.cmpi ne, %rem3A_64, %ne3A_65 : vector<16xi32>
      %lt3A = arith.constant 0 : i32
      %lt3A_67 = vector.broadcast %lt3A : i32 to vector<16xi32>
      %lt3A_68 = arith.cmpi slt, %rem3A_64, %lt3A_67 : vector<16xi32>
      %lt3A_69 = arith.constant 0 : i32
      %lt3A_70 = arith.cmpi slt, %select_n3A, %lt3A_69 : i32
      %ne3A_71 = vector.broadcast %lt3A_70 : i1 to vector<16xi1>
      %ne3A_72 = vector.broadcast %ne3A_71 : vector<16xi1> to vector<16xi1>
      %ne3A_73 = arith.xori %lt3A_68, %ne3A_72 : vector<16xi1>
      %and3A = arith.andi %ne3A_73, %ne3A_66 : vector<16xi1>
      %add3A_74 = vector.broadcast %select_n3A : i32 to vector<16xi32>
      %add3A_75 = arith.addi %rem3A_64, %add3A_74 : vector<16xi32>
      %select_n3A_76 = arith.select %and3A, %add3A_75, %rem3A_64 : vector<16xi1>, vector<16xi32>
      %swap3A_77 = arith.index_cast %mul3A_52 : i32 to index
      %swap3A_78 = tpu.vector_load %arg7[%swap3A_77] {strides = array<i32>} : memref<5536xi32, #tpu.memory_space<vmem>>, vector<16xi32>,
      tpu.vector_store %arg7[%swap3A_77], %select_n3A_76 {strides = array<i32>} : memref<5536xi32, #tpu.memory_space<vmem>>, vector<16xi32>,
      %add3A_79 = arith.constant 320 : i32
      %add3A_80 = vector.broadcast %add3A_79 : i32 to vector<16xi32>
      %add3A_81 = arith.addi %broadcast_in_dim3A_5, %add3A_80 : vector<16xi32>
      %swap3A_82 = arith.index_cast %mul3A_52 : i32 to index
      %swap3A_83 = tpu.vector_load %arg8[%swap3A_82] {strides = array<i32>} : memref<5536xi32, #tpu.memory_space<vmem>>, vector<16xi32>,
      tpu.vector_store %arg8[%swap3A_82], %add3A_81 {strides = array<i32>} : memref<5536xi32, #tpu.memory_space<vmem>>, vector<16xi32>,
      %swap3A_84 = arith.index_cast %mul3A_52 : i32 to index
      %swap3A_85 = tpu.vector_load %arg9[%swap3A_84] {strides = array<i32>} : memref<5536xf32, #tpu.memory_space<vmem>>, vector<16xf32>,
      tpu.vector_store %arg9[%swap3A_84], %broadcast_in_dim3A_3 {strides = array<i32>} : memref<5536xf32, #tpu.memory_space<vmem>>, vector<16xf32>,
      %scan3A_86 = arith.constant 0 : i32
      scf.yield %scan3A_86 : i32
    }
    %scan3A_18 = arith.constant 346 : i32
    %swap3A = arith.constant 0 : index
    %swap3A_19 = tpu.vector_load %arg11[%swap3A] {strides = array<i32>} : memref<16xi32, #tpu.memory_space<vmem>>, vector<16xi32>,
    tpu.vector_store %arg11[%swap3A], %broadcast_in_dim3A_5 {strides = array<i32>} : memref<16xi32, #tpu.memory_space<vmem>>, vector<16xi32>,
    %dma_start3A = arith.constant 0 : i32
    %dma_start3A_20 = arith.constant 0 : i32
    %dma_start3A_21 = arith.constant 0 : i32
    %dma_start3A_22 = tpu.memref_slice %arg3[%dma_start3A, %dma_start3A_20, %dma_start3A_21] : memref<100x3x1600xi32, #tpu.memory_space<hbm>> -> memref<1x3x1600xi32, #tpu.memory_space<hbm>>
    %dma_start3A_23 = tpu.memref_squeeze %dma_start3A_22 : memref<1x3x1600xi32, #tpu.memory_space<hbm>> -> memref<3x1600xi32, #tpu.memory_space<hbm>>
    %dma_start3A_24 = arith.constant 0 : i32
    %dma_start3A_25 = arith.constant 0 : i32
    %dma_start3A_26 = tpu.memref_slice %arg3[%dma_start3A, %dma_start3A_24, %dma_start3A_25] : memref<100x3x1600xi32, #tpu.memory_space<hbm>> -> memref<1x3x1600xi32, #tpu.memory_space<hbm>>
    %dma_start3A_27 = tpu.memref_squeeze %dma_start3A_26 : memref<1x3x1600xi32, #tpu.memory_space<hbm>> -> memref<3x1600xi32, #tpu.memory_space<hbm>>
    tpu.enqueue_dma source(%dma_start3A_27 : memref<3x1600xi32, #tpu.memory_space<hbm>>) target(%arg5 : memref<3x1600xi32, #tpu.memory_space<vmem>>) target_semaphore(%arg17 : memref<!tpu.dma_semaphore, #tpu.memory_space<semaphore_mem>>)
    %scan3A_28 = arith.constant 0 : i32
    %scan3A_29 = arith.constant 0 : i32
    %scan3A_30 = arith.constant 50 : i32
    %scan3A_31 = arith.addi %scan3A_29, %scan3A_30 : i32
    %scan3A_32 = arith.constant 1 : i32
    %scan3A_33 = scf.for %scan3A_49 = %scan3A_29 to %scan3A_31 step %scan3A_32 iter_args(%scan3A_50 = %scan3A_28) -> (i32)  : i32 {
      %mul3A_51 = arith.constant 2 : i32
      %mul3A_52 = arith.muli %mul3A_51, %scan3A_49 : i32
      %add3A_53 = arith.constant 1 : i32
      %add3A_54 = arith.addi %mul3A_52, %add3A_53 : i32
      %dma_start3A_55 = arith.constant 0 : i32
      %dma_start3A_56 = arith.constant 0 : i32
      %dma_start3A_57 = tpu.memref_slice %arg3[%add3A_54, %dma_start3A_55, %dma_start3A_56] : memref<100x3x1600xi32, #tpu.memory_space<hbm>> -> memref<1x3x1600xi32, #tpu.memory_space<hbm>>
      %dma_start3A_58 = tpu.memref_squeeze %dma_start3A_57 : memref<1x3x1600xi32, #tpu.memory_space<hbm>> -> memref<3x1600xi32, #tpu.memory_space<hbm>>
      %dma_start3A_59 = arith.constant 0 : i32
      %dma_start3A_60 = arith.constant 0 : i32
      %dma_start3A_61 = tpu.memref_slice %arg3[%add3A_54, %dma_start3A_59, %dma_start3A_60] : memref<100x3x1600xi32, #tpu.memory_space<hbm>> -> memref<1x3x1600xi32, #tpu.memory_space<hbm>>
      %dma_start3A_62 = tpu.memref_squeeze %dma_start3A_61 : memref<1x3x1600xi32, #tpu.memory_space<hbm>> -> memref<3x1600xi32, #tpu.memory_space<hbm>>
      tpu.enqueue_dma source(%dma_start3A_62 : memref<3x1600xi32, #tpu.memory_space<hbm>>) target(%arg6 : memref<3x1600xi32, #tpu.memory_space<vmem>>) target_semaphore(%arg18 : memref<!tpu.dma_semaphore, #tpu.memory_space<semaphore_mem>>)
      %dma_wait3A = arith.constant 0 : i32
      %dma_wait3A_63 = arith.constant 0 : i32
      %dma_wait3A_64 = tpu.memref_slice %arg3[%mul3A_52, %dma_wait3A, %dma_wait3A_63] : memref<100x3x1600xi32, #tpu.memory_space<hbm>> -> memref<1x3x1600xi32, #tpu.memory_space<hbm>>
      %dma_wait3A_65 = tpu.memref_squeeze %dma_wait3A_64 : memref<1x3x1600xi32, #tpu.memory_space<hbm>> -> memref<3x1600xi32, #tpu.memory_space<hbm>>
      %dma_wait3A_66 = arith.constant 0 : i32
      %dma_wait3A_67 = arith.constant 0 : i32
      %dma_wait3A_68 = tpu.memref_slice %arg3[%mul3A_52, %dma_wait3A_66, %dma_wait3A_67] : memref<100x3x1600xi32, #tpu.memory_space<hbm>> -> memref<1x3x1600xi32, #tpu.memory_space<hbm>>
      %dma_wait3A_69 = tpu.memref_squeeze %dma_wait3A_68 : memref<1x3x1600xi32, #tpu.memory_space<hbm>> -> memref<3x1600xi32, #tpu.memory_space<hbm>>
      tpu.wait_dma2 semaphore(%arg17 : memref<!tpu.dma_semaphore, #tpu.memory_space<semaphore_mem>>) src(%dma_wait3A_69 : memref<3x1600xi32, #tpu.memory_space<hbm>>) dst(%arg5 : memref<3x1600xi32, #tpu.memory_space<vmem>>)
      %mul3A_70 = arith.constant 1600 : i32
      %mul3A_71 = arith.muli %mul3A_52, %mul3A_70 : i32
      %scan3A_72 = arith.constant 0 : i32
      %scan3A_73 = arith.constant 0 : i32
      %scan3A_74 = arith.constant 25 : i32
      %scan3A_75 = arith.addi %scan3A_73, %scan3A_74 : i32
      %scan3A_76 = arith.constant 1 : i32
      %scan3A_77 = scf.for %scan3A_107 = %scan3A_73 to %scan3A_75 step %scan3A_76 iter_args(%scan3A_108 = %scan3A_72) -> (i32)  : i32 {
        %iota3A = tpu.iota {dimensions = array<i32: 0>} : vector<16xi32>
        %mul3A_109 = arith.constant 4 : i32
        %mul3A_110 = arith.muli %mul3A_109, %scan3A_107 : i32
        %add3A_111 = arith.constant 0 : i32
        %add3A_112 = arith.addi %mul3A_110, %add3A_111 : i32
        %mul3A_113 = arith.constant 16 : i32
        %mul3A_114 = arith.muli %add3A_112, %mul3A_113 : i32
        %mul3A_115 = arith.constant 4 : i32
        %mul3A_116 = arith.muli %mul3A_115, %scan3A_107 : i32
        %add3A_117 = arith.constant 1 : i32
        %add3A_118 = arith.addi %mul3A_116, %add3A_117 : i32
        %mul3A_119 = arith.constant 16 : i32
        %mul3A_120 = arith.muli %add3A_118, %mul3A_119 : i32
        %mul3A_121 = arith.constant 4 : i32
        %mul3A_122 = arith.muli %mul3A_121, %scan3A_107 : i32
        %add3A_123 = arith.constant 2 : i32
        %add3A_124 = arith.addi %mul3A_122, %add3A_123 : i32
        %mul3A_125 = arith.constant 16 : i32
        %mul3A_126 = arith.muli %add3A_124, %mul3A_125 : i32
        %mul3A_127 = arith.constant 4 : i32
        %mul3A_128 = arith.muli %mul3A_127, %scan3A_107 : i32
        %add3A_129 = arith.constant 3 : i32
        %add3A_130 = arith.addi %mul3A_128, %add3A_129 : i32
        %mul3A_131 = arith.constant 16 : i32
        %mul3A_132 = arith.muli %add3A_130, %mul3A_131 : i32
        %get3A = arith.constant 0 : index
        %get3A_133 = tpu.vector_load %arg11[%get3A] {strides = array<i32>} : memref<16xi32, #tpu.memory_space<vmem>>, vector<16xi32>,
        %get3A_134 = arith.constant 0 : i32
        %get3A_135 = arith.index_cast %get3A_134 : i32 to index
        %get3A_136 = arith.index_cast %mul3A_114 : i32 to index
        %get3A_137 = tpu.vector_load %arg5[%get3A_135, %get3A_136] {strides = array<i32>} : memref<3x1600xi32, #tpu.memory_space<vmem>>, vector<16xi32>,
        %sub3A = vector.broadcast %mul3A_2 : i32 to vector<16xi32>
        %sub3A_138 = arith.subi %get3A_137, %sub3A : vector<16xi32>
        %get3A_139 = arith.constant 0 : i32
        %get3A_140 = arith.index_cast %get3A_139 : i32 to index
        %get3A_141 = arith.index_cast %mul3A_120 : i32 to index
        %get3A_142 = tpu.vector_load %arg5[%get3A_140, %get3A_141] {strides = array<i32>} : memref<3x1600xi32, #tpu.memory_space<vmem>>, vector<16xi32>,
        %sub3A_143 = vector.broadcast %mul3A_2 : i32 to vector<16xi32>
        %sub3A_144 = arith.subi %get3A_142, %sub3A_143 : vector<16xi32>
        %get3A_145 = arith.constant 0 : i32
        %get3A_146 = arith.index_cast %get3A_145 : i32 to index
        %get3A_147 = arith.index_cast %mul3A_126 : i32 to index
        %get3A_148 = tpu.vector_load %arg5[%get3A_146, %get3A_147] {strides = array<i32>} : memref<3x1600xi32, #tpu.memory_space<vmem>>, vector<16xi32>,
        %sub3A_149 = vector.broadcast %mul3A_2 : i32 to vector<16xi32>
        %sub3A_150 = arith.subi %get3A_148, %sub3A_149 : vector<16xi32>
        %get3A_151 = arith.constant 0 : i32
        %get3A_152 = arith.index_cast %get3A_151 : i32 to index
        %get3A_153 = arith.index_cast %mul3A_132 : i32 to index
        %get3A_154 = tpu.vector_load %arg5[%get3A_152, %get3A_153] {strides = array<i32>} : memref<3x1600xi32, #tpu.memory_space<vmem>>, vector<16xi32>,
        %sub3A_155 = vector.broadcast %mul3A_2 : i32 to vector<16xi32>
        %sub3A_156 = arith.subi %get3A_154, %sub3A_155 : vector<16xi32>
        %ge3A = arith.constant 0 : i32
        %ge3A_157 = vector.broadcast %ge3A : i32 to vector<16xi32>
        %ge3A_158 = arith.cmpi sge, %sub3A_138, %ge3A_157 : vector<16xi32>
        %lt3A_159 = arith.constant 320 : i32
        %lt3A_160 = vector.broadcast %lt3A_159 : i32 to vector<16xi32>
        %lt3A_161 = arith.cmpi slt, %sub3A_138, %lt3A_160 : vector<16xi32>
        %and3A = arith.andi %ge3A_158, %lt3A_161 : vector<16xi1>
        %ge3A_162 = arith.constant 0 : i32
        %ge3A_163 = vector.broadcast %ge3A_162 : i32 to vector<16xi32>
        %ge3A_164 = arith.cmpi sge, %sub3A_144, %ge3A_163 : vector<16xi32>
        %lt3A_165 = arith.constant 320 : i32
        %lt3A_166 = vector.broadcast %lt3A_165 : i32 to vector<16xi32>
        %lt3A_167 = arith.cmpi slt, %sub3A_144, %lt3A_166 : vector<16xi32>
        %and3A_168 = arith.andi %ge3A_164, %lt3A_167 : vector<16xi1>
        %ge3A_169 = arith.constant 0 : i32
        %ge3A_170 = vector.broadcast %ge3A_169 : i32 to vector<16xi32>
        %ge3A_171 = arith.cmpi sge, %sub3A_150, %ge3A_170 : vector<16xi32>
        %lt3A_172 = arith.constant 320 : i32
        %lt3A_173 = vector.broadcast %lt3A_172 : i32 to vector<16xi32>
        %lt3A_174 = arith.cmpi slt, %sub3A_150, %lt3A_173 : vector<16xi32>
        %and3A_175 = arith.andi %ge3A_171, %lt3A_174 : vector<16xi1>
        %ge3A_176 = arith.constant 0 : i32
        %ge3A_177 = vector.broadcast %ge3A_176 : i32 to vector<16xi32>
        %ge3A_178 = arith.cmpi sge, %sub3A_156, %ge3A_177 : vector<16xi32>
        %lt3A_179 = arith.constant 320 : i32
        %lt3A_180 = vector.broadcast %lt3A_179 : i32 to vector<16xi32>
        %lt3A_181 = arith.cmpi slt, %sub3A_156, %lt3A_180 : vector<16xi32>
        %and3A_182 = arith.andi %ge3A_178, %lt3A_181 : vector<16xi1>
        %jit3A = arith.constant 1 : i32
        %jit3A_183 = arith.constant 0 : i32
        %broadcast_in_dim3A_184 = vector.broadcast %jit3A : i32 to vector<16xi32>
        %broadcast_in_dim3A_185 = vector.broadcast %jit3A_183 : i32 to vector<16xi32>
        %select_n3A = arith.select %and3A, %broadcast_in_dim3A_184, %broadcast_in_dim3A_185 : vector<16xi1>, vector<16xi32>
        %broadcast_in_dim3A_186 = arith.constant true
        %broadcast_in_dim3A_187 = vector.broadcast %broadcast_in_dim3A_186 : i1 to vector<16xi1>
        %masked_cumsum3A = tpu.scan <sum>, %select_n3A masked %broadcast_in_dim3A_187 : vector<16xi32>, vector<16xi1> -> vector<16xi32>
        %jit3A_188 = arith.constant 1 : i32
        %jit3A_189 = arith.constant 0 : i32
        %broadcast_in_dim3A_190 = vector.broadcast %jit3A_188 : i32 to vector<16xi32>
        %broadcast_in_dim3A_191 = vector.broadcast %jit3A_189 : i32 to vector<16xi32>
        %select_n3A_192 = arith.select %and3A_168, %broadcast_in_dim3A_190, %broadcast_in_dim3A_191 : vector<16xi1>, vector<16xi32>
        %broadcast_in_dim3A_193 = arith.constant true
        %broadcast_in_dim3A_194 = vector.broadcast %broadcast_in_dim3A_193 : i1 to vector<16xi1>
        %masked_cumsum3A_195 = tpu.scan <sum>, %select_n3A_192 masked %broadcast_in_dim3A_194 : vector<16xi32>, vector<16xi1> -> vector<16xi32>
        %jit3A_196 = arith.constant 1 : i32
        %jit3A_197 = arith.constant 0 : i32
        %broadcast_in_dim3A_198 = vector.broadcast %jit3A_196 : i32 to vector<16xi32>
        %broadcast_in_dim3A_199 = vector.broadcast %jit3A_197 : i32 to vector<16xi32>
        %select_n3A_200 = arith.select %and3A_175, %broadcast_in_dim3A_198, %broadcast_in_dim3A_199 : vector<16xi1>, vector<16xi32>
        %broadcast_in_dim3A_201 = arith.constant true
        %broadcast_in_dim3A_202 = vector.broadcast %broadcast_in_dim3A_201 : i1 to vector<16xi1>
        %masked_cumsum3A_203 = tpu.scan <sum>, %select_n3A_200 masked %broadcast_in_dim3A_202 : vector<16xi32>, vector<16xi1> -> vector<16xi32>
        %jit3A_204 = arith.constant 1 : i32
        %jit3A_205 = arith.constant 0 : i32
        %broadcast_in_dim3A_206 = vector.broadcast %jit3A_204 : i32 to vector<16xi32>
        %broadcast_in_dim3A_207 = vector.broadcast %jit3A_205 : i32 to vector<16xi32>
        %select_n3A_208 = arith.select %and3A_182, %broadcast_in_dim3A_206, %broadcast_in_dim3A_207 : vector<16xi1>, vector<16xi32>
        %broadcast_in_dim3A_209 = arith.constant true
        %broadcast_in_dim3A_210 = vector.broadcast %broadcast_in_dim3A_209 : i1 to vector<16xi1>
        %masked_cumsum3A_211 = tpu.scan <sum>, %select_n3A_208 masked %broadcast_in_dim3A_210 : vector<16xi32>, vector<16xi1> -> vector<16xi32>
        %swap3A_212 = arith.constant 0 : index
        %swap3A_213 = tpu.vector_load %arg10[%swap3A_212] {strides = array<i32>} : memref<64xi32, #tpu.memory_space<vmem>>, vector<16xi32>,
        tpu.vector_store %arg10[%swap3A_212], %masked_cumsum3A {strides = array<i32>} : memref<64xi32, #tpu.memory_space<vmem>>, vector<16xi32>,
        %swap3A_214 = arith.constant 16 : index
        %swap3A_215 = tpu.vector_load %arg10[%swap3A_214] {strides = array<i32>} : memref<64xi32, #tpu.memory_space<vmem>>, vector<16xi32>,
        tpu.vector_store %arg10[%swap3A_214], %masked_cumsum3A_195 {strides = array<i32>} : memref<64xi32, #tpu.memory_space<vmem>>, vector<16xi32>,
        %swap3A_216 = arith.constant 32 : index
        %swap3A_217 = tpu.vector_load %arg10[%swap3A_216] {strides = array<i32>} : memref<64xi32, #tpu.memory_space<vmem>>, vector<16xi32>,
        tpu.vector_store %arg10[%swap3A_216], %masked_cumsum3A_203 {strides = array<i32>} : memref<64xi32, #tpu.memory_space<vmem>>, vector<16xi32>,
        %swap3A_218 = arith.constant 48 : index
        %swap3A_219 = tpu.vector_load %arg10[%swap3A_218] {strides = array<i32>} : memref<64xi32, #tpu.memory_space<vmem>>, vector<16xi32>,
        tpu.vector_store %arg10[%swap3A_218], %masked_cumsum3A_211 {strides = array<i32>} : memref<64xi32, #tpu.memory_space<vmem>>, vector<16xi32>,
        %add3A_220 = arith.constant 15 : i32
        %add3A_221 = vector.broadcast %add3A_220 : i32 to vector<16xi32>
        %add3A_222 = arith.addi %broadcast_in_dim3A_5, %add3A_221 : vector<16xi32>
        %gather3A = tpu.vector_load_idx %arg10[%add3A_222] : memref<64xi32, #tpu.memory_space<vmem>>[vector<16xi32>], vector<16xi32>,
        %add3A_223 = arith.constant 31 : i32
        %add3A_224 = vector.broadcast %add3A_223 : i32 to vector<16xi32>
        %add3A_225 = arith.addi %broadcast_in_dim3A_5, %add3A_224 : vector<16xi32>
        %gather3A_226 = tpu.vector_load_idx %arg10[%add3A_225] : memref<64xi32, #tpu.memory_space<vmem>>[vector<16xi32>], vector<16xi32>,
        %add3A_227 = arith.constant 47 : i32
        %add3A_228 = vector.broadcast %add3A_227 : i32 to vector<16xi32>
        %add3A_229 = arith.addi %broadcast_in_dim3A_5, %add3A_228 : vector<16xi32>
        %gather3A_230 = tpu.vector_load_idx %arg10[%add3A_229] : memref<64xi32, #tpu.memory_space<vmem>>[vector<16xi32>], vector<16xi32>,
        %add3A_231 = arith.constant 63 : i32
        %add3A_232 = vector.broadcast %add3A_231 : i32 to vector<16xi32>
        %add3A_233 = arith.addi %broadcast_in_dim3A_5, %add3A_232 : vector<16xi32>
        %gather3A_234 = tpu.vector_load_idx %arg10[%add3A_233] : memref<64xi32, #tpu.memory_space<vmem>>[vector<16xi32>], vector<16xi32>,
        %sub3A_235 = arith.constant 1 : i32
        %sub3A_236 = vector.broadcast %sub3A_235 : i32 to vector<16xi32>
        %sub3A_237 = arith.subi %get3A_133, %sub3A_236 : vector<16xi32>
        %add3A_238 = arith.addi %masked_cumsum3A, %sub3A_237 : vector<16xi32>
        %add3A_239 = arith.constant 5504 : i32
        %add3A_240 = vector.broadcast %add3A_239 : i32 to vector<16xi32>
        %add3A_241 = arith.addi %add3A_240, %iota3A : vector<16xi32>
        %min3A = arith.minsi %add3A_238, %add3A_241 : vector<16xi32>
        %add3A_242 = arith.constant 5520 : i32
        %add3A_243 = vector.broadcast %add3A_242 : i32 to vector<16xi32>
        %add3A_244 = arith.addi %add3A_243, %iota3A : vector<16xi32>
        %select_n3A_245 = arith.select %and3A, %min3A, %add3A_244 : vector<16xi1>, vector<16xi32>
        %get3A_246 = arith.constant 1 : i32
        %get3A_247 = arith.index_cast %get3A_246 : i32 to index
        %get3A_248 = arith.index_cast %mul3A_114 : i32 to index
        %get3A_249 = tpu.vector_load %arg5[%get3A_247, %get3A_248] {strides = array<i32>} : memref<3x1600xi32, #tpu.memory_space<vmem>>, vector<16xi32>,
        tpu.vector_store_idx %arg7[%select_n3A_245], %get3A_249 : memref<5536xi32, #tpu.memory_space<vmem>>[vector<16xi32>], vector<16xi32>,
        tpu.vector_store_idx %arg8[%select_n3A_245], %sub3A_138 : memref<5536xi32, #tpu.memory_space<vmem>>[vector<16xi32>], vector<16xi32>,
        %get3A_250 = arith.constant 2 : i32
        %get3A_251 = arith.index_cast %get3A_250 : i32 to index
        %get3A_252 = arith.index_cast %mul3A_114 : i32 to index
        %get3A_253 = tpu.vector_load %arg5[%get3A_251, %get3A_252] {strides = array<i32>} : memref<3x1600xi32, #tpu.memory_space<vmem>>, vector<16xi32>,
        %bitcast3A = vector.bitcast %get3A_253 : vector<16xi32> to vector<16xf32>
        tpu.vector_store_idx %arg9[%select_n3A_245], %bitcast3A : memref<5536xf32, #tpu.memory_space<vmem>>[vector<16xi32>], vector<16xf32>,
        %add3A_254 = arith.addi %get3A_133, %gather3A : vector<16xi32>
        %sub3A_255 = arith.constant 1 : i32
        %sub3A_256 = vector.broadcast %sub3A_255 : i32 to vector<16xi32>
        %sub3A_257 = arith.subi %add3A_254, %sub3A_256 : vector<16xi32>
        %add3A_258 = arith.addi %masked_cumsum3A_195, %sub3A_257 : vector<16xi32>
        %add3A_259 = arith.constant 5504 : i32
        %add3A_260 = vector.broadcast %add3A_259 : i32 to vector<16xi32>
        %add3A_261 = arith.addi %add3A_260, %iota3A : vector<16xi32>
        %min3A_262 = arith.minsi %add3A_258, %add3A_261 : vector<16xi32>
        %add3A_263 = arith.constant 5520 : i32
        %add3A_264 = vector.broadcast %add3A_263 : i32 to vector<16xi32>
        %add3A_265 = arith.addi %add3A_264, %iota3A : vector<16xi32>
        %select_n3A_266 = arith.select %and3A_168, %min3A_262, %add3A_265 : vector<16xi1>, vector<16xi32>
        %get3A_267 = arith.constant 1 : i32
        %get3A_268 = arith.index_cast %get3A_267 : i32 to index
        %get3A_269 = arith.index_cast %mul3A_120 : i32 to index
        %get3A_270 = tpu.vector_load %arg5[%get3A_268, %get3A_269] {strides = array<i32>} : memref<3x1600xi32, #tpu.memory_space<vmem>>, vector<16xi32>,
        tpu.vector_store_idx %arg7[%select_n3A_266], %get3A_270 : memref<5536xi32, #tpu.memory_space<vmem>>[vector<16xi32>], vector<16xi32>,
        tpu.vector_store_idx %arg8[%select_n3A_266], %sub3A_144 : memref<5536xi32, #tpu.memory_space<vmem>>[vector<16xi32>], vector<16xi32>,
        %get3A_271 = arith.constant 2 : i32
        %get3A_272 = arith.index_cast %get3A_271 : i32 to index
        %get3A_273 = arith.index_cast %mul3A_120 : i32 to index
        %get3A_274 = tpu.vector_load %arg5[%get3A_272, %get3A_273] {strides = array<i32>} : memref<3x1600xi32, #tpu.memory_space<vmem>>, vector<16xi32>,
        %bitcast3A_275 = vector.bitcast %get3A_274 : vector<16xi32> to vector<16xf32>
        tpu.vector_store_idx %arg9[%select_n3A_266], %bitcast3A_275 : memref<5536xf32, #tpu.memory_space<vmem>>[vector<16xi32>], vector<16xf32>,
        %add3A_276 = arith.addi %add3A_254, %gather3A_226 : vector<16xi32>
        %sub3A_277 = arith.constant 1 : i32
        %sub3A_278 = vector.broadcast %sub3A_277 : i32 to vector<16xi32>
        %sub3A_279 = arith.subi %add3A_276, %sub3A_278 : vector<16xi32>
        %add3A_280 = arith.addi %masked_cumsum3A_203, %sub3A_279 : vector<16xi32>
        %add3A_281 = arith.constant 5504 : i32
        %add3A_282 = vector.broadcast %add3A_281 : i32 to vector<16xi32>
        %add3A_283 = arith.addi %add3A_282, %iota3A : vector<16xi32>
        %min3A_284 = arith.minsi %add3A_280, %add3A_283 : vector<16xi32>
        %add3A_285 = arith.constant 5520 : i32
        %add3A_286 = vector.broadcast %add3A_285 : i32 to vector<16xi32>
        %add3A_287 = arith.addi %add3A_286, %iota3A : vector<16xi32>
        %select_n3A_288 = arith.select %and3A_175, %min3A_284, %add3A_287 : vector<16xi1>, vector<16xi32>
        %get3A_289 = arith.constant 1 : i32
        %get3A_290 = arith.index_cast %get3A_289 : i32 to index
        %get3A_291 = arith.index_cast %mul3A_126 : i32 to index
        %get3A_292 = tpu.vector_load %arg5[%get3A_290, %get3A_291] {strides = array<i32>} : memref<3x1600xi32, #tpu.memory_space<vmem>>, vector<16xi32>,
        tpu.vector_store_idx %arg7[%select_n3A_288], %get3A_292 : memref<5536xi32, #tpu.memory_space<vmem>>[vector<16xi32>], vector<16xi32>,
        tpu.vector_store_idx %arg8[%select_n3A_288], %sub3A_150 : memref<5536xi32, #tpu.memory_space<vmem>>[vector<16xi32>], vector<16xi32>,
        %get3A_293 = arith.constant 2 : i32
        %get3A_294 = arith.index_cast %get3A_293 : i32 to index
        %get3A_295 = arith.index_cast %mul3A_126 : i32 to index
        %get3A_296 = tpu.vector_load %arg5[%get3A_294, %get3A_295] {strides = array<i32>} : memref<3x1600xi32, #tpu.memory_space<vmem>>, vector<16xi32>,
        %bitcast3A_297 = vector.bitcast %get3A_296 : vector<16xi32> to vector<16xf32>
        tpu.vector_store_idx %arg9[%select_n3A_288], %bitcast3A_297 : memref<5536xf32, #tpu.memory_space<vmem>>[vector<16xi32>], vector<16xf32>,
        %add3A_298 = arith.addi %add3A_276, %gather3A_230 : vector<16xi32>
        %sub3A_299 = arith.constant 1 : i32
        %sub3A_300 = vector.broadcast %sub3A_299 : i32 to vector<16xi32>
        %sub3A_301 = arith.subi %add3A_298, %sub3A_300 : vector<16xi32>
        %add3A_302 = arith.addi %masked_cumsum3A_211, %sub3A_301 : vector<16xi32>
        %add3A_303 = arith.constant 5504 : i32
        %add3A_304 = vector.broadcast %add3A_303 : i32 to vector<16xi32>
        %add3A_305 = arith.addi %add3A_304, %iota3A : vector<16xi32>
        %min3A_306 = arith.minsi %add3A_302, %add3A_305 : vector<16xi32>
        %add3A_307 = arith.constant 5520 : i32
        %add3A_308 = vector.broadcast %add3A_307 : i32 to vector<16xi32>
        %add3A_309 = arith.addi %add3A_308, %iota3A : vector<16xi32>
        %select_n3A_310 = arith.select %and3A_182, %min3A_306, %add3A_309 : vector<16xi1>, vector<16xi32>
        %get3A_311 = arith.constant 1 : i32
        %get3A_312 = arith.index_cast %get3A_311 : i32 to index
        %get3A_313 = arith.index_cast %mul3A_132 : i32 to index
        %get3A_314 = tpu.vector_load %arg5[%get3A_312, %get3A_313] {strides = array<i32>} : memref<3x1600xi32, #tpu.memory_space<vmem>>, vector<16xi32>,
        tpu.vector_store_idx %arg7[%select_n3A_310], %get3A_314 : memref<5536xi32, #tpu.memory_space<vmem>>[vector<16xi32>], vector<16xi32>,
        tpu.vector_store_idx %arg8[%select_n3A_310], %sub3A_156 : memref<5536xi32, #tpu.memory_space<vmem>>[vector<16xi32>], vector<16xi32>,
        %get3A_315 = arith.constant 2 : i32
        %get3A_316 = arith.index_cast %get3A_315 : i32 to index
        %get3A_317 = arith.index_cast %mul3A_132 : i32 to index
        %get3A_318 = tpu.vector_load %arg5[%get3A_316, %get3A_317] {strides = array<i32>} : memref<3x1600xi32, #tpu.memory_space<vmem>>, vector<16xi32>,
        %bitcast3A_319 = vector.bitcast %get3A_318 : vector<16xi32> to vector<16xf32>
        tpu.vector_store_idx %arg9[%select_n3A_310], %bitcast3A_319 : memref<5536xf32, #tpu.memory_space<vmem>>[vector<16xi32>], vector<16xf32>,
        %add3A_320 = arith.addi %add3A_298, %gather3A_234 : vector<16xi32>
        %swap3A_321 = arith.constant 0 : index
        %swap3A_322 = tpu.vector_load %arg11[%swap3A_321] {strides = array<i32>} : memref<16xi32, #tpu.memory_space<vmem>>, vector<16xi32>,
        tpu.vector_store %arg11[%swap3A_321], %add3A_320 {strides = array<i32>} : memref<16xi32, #tpu.memory_space<vmem>>, vector<16xi32>,
        %scan3A_323 = arith.constant 0 : i32
        scf.yield %scan3A_323 : i32
      }
      %scan3A_78 = arith.constant 25 : i32
      %add3A_79 = arith.constant 2 : i32
      %add3A_80 = arith.addi %mul3A_52, %add3A_79 : i32
      %lt3A = arith.constant 100 : i32
      %lt3A_81 = arith.cmpi slt, %add3A_80, %lt3A : i32
      %convert_element_type3A_82 = arith.extui %lt3A_81 : i1 to i32
      %cond3A_83 = arith.constant 0 : i32
      %cond3A_84 = arith.cmpi ne, %convert_element_type3A_82, %cond3A_83 : i32
      scf.if %cond3A_84 {
        %add3A_107 = arith.constant 2 : i32
        %add3A_108 = arith.addi %mul3A_52, %add3A_107 : i32
        %dma_start3A_109 = arith.constant 0 : i32
        %dma_start3A_110 = arith.constant 0 : i32
        %dma_start3A_111 = tpu.memref_slice %arg3[%add3A_108, %dma_start3A_109, %dma_start3A_110] : memref<100x3x1600xi32, #tpu.memory_space<hbm>> -> memref<1x3x1600xi32, #tpu.memory_space<hbm>>
        %dma_start3A_112 = tpu.memref_squeeze %dma_start3A_111 : memref<1x3x1600xi32, #tpu.memory_space<hbm>> -> memref<3x1600xi32, #tpu.memory_space<hbm>>
        %dma_start3A_113 = arith.constant 0 : i32
        %dma_start3A_114 = arith.constant 0 : i32
        %dma_start3A_115 = tpu.memref_slice %arg3[%add3A_108, %dma_start3A_113, %dma_start3A_114] : memref<100x3x1600xi32, #tpu.memory_space<hbm>> -> memref<1x3x1600xi32, #tpu.memory_space<hbm>>
        %dma_start3A_116 = tpu.memref_squeeze %dma_start3A_115 : memref<1x3x1600xi32, #tpu.memory_space<hbm>> -> memref<3x1600xi32, #tpu.memory_space<hbm>>
        tpu.enqueue_dma source(%dma_start3A_116 : memref<3x1600xi32, #tpu.memory_space<hbm>>) target(%arg5 : memref<3x1600xi32, #tpu.memory_space<vmem>>) target_semaphore(%arg17 : memref<!tpu.dma_semaphore, #tpu.memory_space<semaphore_mem>>)
      } else {
      }
      %add3A_85 = arith.constant 1 : i32
      %add3A_86 = arith.addi %mul3A_52, %add3A_85 : i32
      %dma_wait3A_87 = arith.constant 0 : i32
      %dma_wait3A_88 = arith.constant 0 : i32
      %dma_wait3A_89 = tpu.memref_slice %arg3[%add3A_86, %dma_wait3A_87, %dma_wait3A_88] : memref<100x3x1600xi32, #tpu.memory_space<hbm>> -> memref<1x3x1600xi32, #tpu.memory_space<hbm>>
      %dma_wait3A_90 = tpu.memref_squeeze %dma_wait3A_89 : memref<1x3x1600xi32, #tpu.memory_space<hbm>> -> memref<3x1600xi32, #tpu.memory_space<hbm>>
      %dma_wait3A_91 = arith.constant 0 : i32
      %dma_wait3A_92 = arith.constant 0 : i32
      %dma_wait3A_93 = tpu.memref_slice %arg3[%add3A_86, %dma_wait3A_91, %dma_wait3A_92] : memref<100x3x1600xi32, #tpu.memory_space<hbm>> -> memref<1x3x1600xi32, #tpu.memory_space<hbm>>
      %dma_wait3A_94 = tpu.memref_squeeze %dma_wait3A_93 : memref<1x3x1600xi32, #tpu.memory_space<hbm>> -> memref<3x1600xi32, #tpu.memory_space<hbm>>
      tpu.wait_dma2 semaphore(%arg18 : memref<!tpu.dma_semaphore, #tpu.memory_space<semaphore_mem>>) src(%dma_wait3A_94 : memref<3x1600xi32, #tpu.memory_space<hbm>>) dst(%arg6 : memref<3x1600xi32, #tpu.memory_space<vmem>>)
      %add3A_95 = arith.constant 1 : i32
      %add3A_96 = arith.addi %mul3A_52, %add3A_95 : i32
      %mul3A_97 = arith.constant 1600 : i32
      %mul3A_98 = arith.muli %add3A_96, %mul3A_97 : i32
      %scan3A_99 = arith.constant 0 : i32
      %scan3A_100 = arith.constant 0 : i32
      %scan3A_101 = arith.constant 25 : i32
      %scan3A_102 = arith.addi %scan3A_100, %scan3A_101 : i32
      %scan3A_103 = arith.constant 1 : i32
      %scan3A_104 = scf.for %scan3A_107 = %scan3A_100 to %scan3A_102 step %scan3A_103 iter_args(%scan3A_108 = %scan3A_99) -> (i32)  : i32 {
        %iota3A = tpu.iota {dimensions = array<i32: 0>} : vector<16xi32>
        %mul3A_109 = arith.constant 4 : i32
        %mul3A_110 = arith.muli %mul3A_109, %scan3A_107 : i32
        %add3A_111 = arith.constant 0 : i32
        %add3A_112 = arith.addi %mul3A_110, %add3A_111 : i32
        %mul3A_113 = arith.constant 16 : i32
        %mul3A_114 = arith.muli %add3A_112, %mul3A_113 : i32
        %mul3A_115 = arith.constant 4 : i32
        %mul3A_116 = arith.muli %mul3A_115, %scan3A_107 : i32
        %add3A_117 = arith.constant 1 : i32
        %add3A_118 = arith.addi %mul3A_116, %add3A_117 : i32
        %mul3A_119 = arith.constant 16 : i32
        %mul3A_120 = arith.muli %add3A_118, %mul3A_119 : i32
        %mul3A_121 = arith.constant 4 : i32
        %mul3A_122 = arith.muli %mul3A_121, %scan3A_107 : i32
        %add3A_123 = arith.constant 2 : i32
        %add3A_124 = arith.addi %mul3A_122, %add3A_123 : i32
        %mul3A_125 = arith.constant 16 : i32
        %mul3A_126 = arith.muli %add3A_124, %mul3A_125 : i32
        %mul3A_127 = arith.constant 4 : i32
        %mul3A_128 = arith.muli %mul3A_127, %scan3A_107 : i32
        %add3A_129 = arith.constant 3 : i32
        %add3A_130 = arith.addi %mul3A_128, %add3A_129 : i32
        %mul3A_131 = arith.constant 16 : i32
        %mul3A_132 = arith.muli %add3A_130, %mul3A_131 : i32
        %get3A = arith.constant 0 : index
        %get3A_133 = tpu.vector_load %arg11[%get3A] {strides = array<i32>} : memref<16xi32, #tpu.memory_space<vmem>>, vector<16xi32>,
        %get3A_134 = arith.constant 0 : i32
        %get3A_135 = arith.index_cast %get3A_134 : i32 to index
        %get3A_136 = arith.index_cast %mul3A_114 : i32 to index
        %get3A_137 = tpu.vector_load %arg6[%get3A_135, %get3A_136] {strides = array<i32>} : memref<3x1600xi32, #tpu.memory_space<vmem>>, vector<16xi32>,
        %sub3A = vector.broadcast %mul3A_2 : i32 to vector<16xi32>
        %sub3A_138 = arith.subi %get3A_137, %sub3A : vector<16xi32>
        %get3A_139 = arith.constant 0 : i32
        %get3A_140 = arith.index_cast %get3A_139 : i32 to index
        %get3A_141 = arith.index_cast %mul3A_120 : i32 to index
        %get3A_142 = tpu.vector_load %arg6[%get3A_140, %get3A_141] {strides = array<i32>} : memref<3x1600xi32, #tpu.memory_space<vmem>>, vector<16xi32>,
        %sub3A_143 = vector.broadcast %mul3A_2 : i32 to vector<16xi32>
        %sub3A_144 = arith.subi %get3A_142, %sub3A_143 : vector<16xi32>
        %get3A_145 = arith.constant 0 : i32
        %get3A_146 = arith.index_cast %get3A_145 : i32 to index
        %get3A_147 = arith.index_cast %mul3A_126 : i32 to index
        %get3A_148 = tpu.vector_load %arg6[%get3A_146, %get3A_147] {strides = array<i32>} : memref<3x1600xi32, #tpu.memory_space<vmem>>, vector<16xi32>,
        %sub3A_149 = vector.broadcast %mul3A_2 : i32 to vector<16xi32>
        %sub3A_150 = arith.subi %get3A_148, %sub3A_149 : vector<16xi32>
        %get3A_151 = arith.constant 0 : i32
        %get3A_152 = arith.index_cast %get3A_151 : i32 to index
        %get3A_153 = arith.index_cast %mul3A_132 : i32 to index
        %get3A_154 = tpu.vector_load %arg6[%get3A_152, %get3A_153] {strides = array<i32>} : memref<3x1600xi32, #tpu.memory_space<vmem>>, vector<16xi32>,
        %sub3A_155 = vector.broadcast %mul3A_2 : i32 to vector<16xi32>
        %sub3A_156 = arith.subi %get3A_154, %sub3A_155 : vector<16xi32>
        %ge3A = arith.constant 0 : i32
        %ge3A_157 = vector.broadcast %ge3A : i32 to vector<16xi32>
        %ge3A_158 = arith.cmpi sge, %sub3A_138, %ge3A_157 : vector<16xi32>
        %lt3A_159 = arith.constant 320 : i32
        %lt3A_160 = vector.broadcast %lt3A_159 : i32 to vector<16xi32>
        %lt3A_161 = arith.cmpi slt, %sub3A_138, %lt3A_160 : vector<16xi32>
        %and3A = arith.andi %ge3A_158, %lt3A_161 : vector<16xi1>
        %ge3A_162 = arith.constant 0 : i32
        %ge3A_163 = vector.broadcast %ge3A_162 : i32 to vector<16xi32>
        %ge3A_164 = arith.cmpi sge, %sub3A_144, %ge3A_163 : vector<16xi32>
        %lt3A_165 = arith.constant 320 : i32
        %lt3A_166 = vector.broadcast %lt3A_165 : i32 to vector<16xi32>
        %lt3A_167 = arith.cmpi slt, %sub3A_144, %lt3A_166 : vector<16xi32>
        %and3A_168 = arith.andi %ge3A_164, %lt3A_167 : vector<16xi1>
        %ge3A_169 = arith.constant 0 : i32
        %ge3A_170 = vector.broadcast %ge3A_169 : i32 to vector<16xi32>
        %ge3A_171 = arith.cmpi sge, %sub3A_150, %ge3A_170 : vector<16xi32>
        %lt3A_172 = arith.constant 320 : i32
        %lt3A_173 = vector.broadcast %lt3A_172 : i32 to vector<16xi32>
        %lt3A_174 = arith.cmpi slt, %sub3A_150, %lt3A_173 : vector<16xi32>
        %and3A_175 = arith.andi %ge3A_171, %lt3A_174 : vector<16xi1>
        %ge3A_176 = arith.constant 0 : i32
        %ge3A_177 = vector.broadcast %ge3A_176 : i32 to vector<16xi32>
        %ge3A_178 = arith.cmpi sge, %sub3A_156, %ge3A_177 : vector<16xi32>
        %lt3A_179 = arith.constant 320 : i32
        %lt3A_180 = vector.broadcast %lt3A_179 : i32 to vector<16xi32>
        %lt3A_181 = arith.cmpi slt, %sub3A_156, %lt3A_180 : vector<16xi32>
        %and3A_182 = arith.andi %ge3A_178, %lt3A_181 : vector<16xi1>
        %jit3A = arith.constant 1 : i32
        %jit3A_183 = arith.constant 0 : i32
        %broadcast_in_dim3A_184 = vector.broadcast %jit3A : i32 to vector<16xi32>
        %broadcast_in_dim3A_185 = vector.broadcast %jit3A_183 : i32 to vector<16xi32>
        %select_n3A = arith.select %and3A, %broadcast_in_dim3A_184, %broadcast_in_dim3A_185 : vector<16xi1>, vector<16xi32>
        %broadcast_in_dim3A_186 = arith.constant true
        %broadcast_in_dim3A_187 = vector.broadcast %broadcast_in_dim3A_186 : i1 to vector<16xi1>
        %masked_cumsum3A = tpu.scan <sum>, %select_n3A masked %broadcast_in_dim3A_187 : vector<16xi32>, vector<16xi1> -> vector<16xi32>
        %jit3A_188 = arith.constant 1 : i32
        %jit3A_189 = arith.constant 0 : i32
        %broadcast_in_dim3A_190 = vector.broadcast %jit3A_188 : i32 to vector<16xi32>
        %broadcast_in_dim3A_191 = vector.broadcast %jit3A_189 : i32 to vector<16xi32>
        %select_n3A_192 = arith.select %and3A_168, %broadcast_in_dim3A_190, %broadcast_in_dim3A_191 : vector<16xi1>, vector<16xi32>
        %broadcast_in_dim3A_193 = arith.constant true
        %broadcast_in_dim3A_194 = vector.broadcast %broadcast_in_dim3A_193 : i1 to vector<16xi1>
        %masked_cumsum3A_195 = tpu.scan <sum>, %select_n3A_192 masked %broadcast_in_dim3A_194 : vector<16xi32>, vector<16xi1> -> vector<16xi32>
        %jit3A_196 = arith.constant 1 : i32
        %jit3A_197 = arith.constant 0 : i32
        %broadcast_in_dim3A_198 = vector.broadcast %jit3A_196 : i32 to vector<16xi32>
        %broadcast_in_dim3A_199 = vector.broadcast %jit3A_197 : i32 to vector<16xi32>
        %select_n3A_200 = arith.select %and3A_175, %broadcast_in_dim3A_198, %broadcast_in_dim3A_199 : vector<16xi1>, vector<16xi32>
        %broadcast_in_dim3A_201 = arith.constant true
        %broadcast_in_dim3A_202 = vector.broadcast %broadcast_in_dim3A_201 : i1 to vector<16xi1>
        %masked_cumsum3A_203 = tpu.scan <sum>, %select_n3A_200 masked %broadcast_in_dim3A_202 : vector<16xi32>, vector<16xi1> -> vector<16xi32>
        %jit3A_204 = arith.constant 1 : i32
        %jit3A_205 = arith.constant 0 : i32
        %broadcast_in_dim3A_206 = vector.broadcast %jit3A_204 : i32 to vector<16xi32>
        %broadcast_in_dim3A_207 = vector.broadcast %jit3A_205 : i32 to vector<16xi32>
        %select_n3A_208 = arith.select %and3A_182, %broadcast_in_dim3A_206, %broadcast_in_dim3A_207 : vector<16xi1>, vector<16xi32>
        %broadcast_in_dim3A_209 = arith.constant true
        %broadcast_in_dim3A_210 = vector.broadcast %broadcast_in_dim3A_209 : i1 to vector<16xi1>
        %masked_cumsum3A_211 = tpu.scan <sum>, %select_n3A_208 masked %broadcast_in_dim3A_210 : vector<16xi32>, vector<16xi1> -> vector<16xi32>
        %swap3A_212 = arith.constant 0 : index
        %swap3A_213 = tpu.vector_load %arg10[%swap3A_212] {strides = array<i32>} : memref<64xi32, #tpu.memory_space<vmem>>, vector<16xi32>,
        tpu.vector_store %arg10[%swap3A_212], %masked_cumsum3A {strides = array<i32>} : memref<64xi32, #tpu.memory_space<vmem>>, vector<16xi32>,
        %swap3A_214 = arith.constant 16 : index
        %swap3A_215 = tpu.vector_load %arg10[%swap3A_214] {strides = array<i32>} : memref<64xi32, #tpu.memory_space<vmem>>, vector<16xi32>,
        tpu.vector_store %arg10[%swap3A_214], %masked_cumsum3A_195 {strides = array<i32>} : memref<64xi32, #tpu.memory_space<vmem>>, vector<16xi32>,
        %swap3A_216 = arith.constant 32 : index
        %swap3A_217 = tpu.vector_load %arg10[%swap3A_216] {strides = array<i32>} : memref<64xi32, #tpu.memory_space<vmem>>, vector<16xi32>,
        tpu.vector_store %arg10[%swap3A_216], %masked_cumsum3A_203 {strides = array<i32>} : memref<64xi32, #tpu.memory_space<vmem>>, vector<16xi32>,
        %swap3A_218 = arith.constant 48 : index
        %swap3A_219 = tpu.vector_load %arg10[%swap3A_218] {strides = array<i32>} : memref<64xi32, #tpu.memory_space<vmem>>, vector<16xi32>,
        tpu.vector_store %arg10[%swap3A_218], %masked_cumsum3A_211 {strides = array<i32>} : memref<64xi32, #tpu.memory_space<vmem>>, vector<16xi32>,
        %add3A_220 = arith.constant 15 : i32
        %add3A_221 = vector.broadcast %add3A_220 : i32 to vector<16xi32>
        %add3A_222 = arith.addi %broadcast_in_dim3A_5, %add3A_221 : vector<16xi32>
        %gather3A = tpu.vector_load_idx %arg10[%add3A_222] : memref<64xi32, #tpu.memory_space<vmem>>[vector<16xi32>], vector<16xi32>,
        %add3A_223 = arith.constant 31 : i32
        %add3A_224 = vector.broadcast %add3A_223 : i32 to vector<16xi32>
        %add3A_225 = arith.addi %broadcast_in_dim3A_5, %add3A_224 : vector<16xi32>
        %gather3A_226 = tpu.vector_load_idx %arg10[%add3A_225] : memref<64xi32, #tpu.memory_space<vmem>>[vector<16xi32>], vector<16xi32>,
        %add3A_227 = arith.constant 47 : i32
        %add3A_228 = vector.broadcast %add3A_227 : i32 to vector<16xi32>
        %add3A_229 = arith.addi %broadcast_in_dim3A_5, %add3A_228 : vector<16xi32>
        %gather3A_230 = tpu.vector_load_idx %arg10[%add3A_229] : memref<64xi32, #tpu.memory_space<vmem>>[vector<16xi32>], vector<16xi32>,
        %add3A_231 = arith.constant 63 : i32
        %add3A_232 = vector.broadcast %add3A_231 : i32 to vector<16xi32>
        %add3A_233 = arith.addi %broadcast_in_dim3A_5, %add3A_232 : vector<16xi32>
        %gather3A_234 = tpu.vector_load_idx %arg10[%add3A_233] : memref<64xi32, #tpu.memory_space<vmem>>[vector<16xi32>], vector<16xi32>,
        %sub3A_235 = arith.constant 1 : i32
        %sub3A_236 = vector.broadcast %sub3A_235 : i32 to vector<16xi32>
        %sub3A_237 = arith.subi %get3A_133, %sub3A_236 : vector<16xi32>
        %add3A_238 = arith.addi %masked_cumsum3A, %sub3A_237 : vector<16xi32>
        %add3A_239 = arith.constant 5504 : i32
        %add3A_240 = vector.broadcast %add3A_239 : i32 to vector<16xi32>
        %add3A_241 = arith.addi %add3A_240, %iota3A : vector<16xi32>
        %min3A = arith.minsi %add3A_238, %add3A_241 : vector<16xi32>
        %add3A_242 = arith.constant 5520 : i32
        %add3A_243 = vector.broadcast %add3A_242 : i32 to vector<16xi32>
        %add3A_244 = arith.addi %add3A_243, %iota3A : vector<16xi32>
        %select_n3A_245 = arith.select %and3A, %min3A, %add3A_244 : vector<16xi1>, vector<16xi32>
        %get3A_246 = arith.constant 1 : i32
        %get3A_247 = arith.index_cast %get3A_246 : i32 to index
        %get3A_248 = arith.index_cast %mul3A_114 : i32 to index
        %get3A_249 = tpu.vector_load %arg6[%get3A_247, %get3A_248] {strides = array<i32>} : memref<3x1600xi32, #tpu.memory_space<vmem>>, vector<16xi32>,
        tpu.vector_store_idx %arg7[%select_n3A_245], %get3A_249 : memref<5536xi32, #tpu.memory_space<vmem>>[vector<16xi32>], vector<16xi32>,
        tpu.vector_store_idx %arg8[%select_n3A_245], %sub3A_138 : memref<5536xi32, #tpu.memory_space<vmem>>[vector<16xi32>], vector<16xi32>,
        %get3A_250 = arith.constant 2 : i32
        %get3A_251 = arith.index_cast %get3A_250 : i32 to index
        %get3A_252 = arith.index_cast %mul3A_114 : i32 to index
        %get3A_253 = tpu.vector_load %arg6[%get3A_251, %get3A_252] {strides = array<i32>} : memref<3x1600xi32, #tpu.memory_space<vmem>>, vector<16xi32>,
        %bitcast3A = vector.bitcast %get3A_253 : vector<16xi32> to vector<16xf32>
        tpu.vector_store_idx %arg9[%select_n3A_245], %bitcast3A : memref<5536xf32, #tpu.memory_space<vmem>>[vector<16xi32>], vector<16xf32>,
        %add3A_254 = arith.addi %get3A_133, %gather3A : vector<16xi32>
        %sub3A_255 = arith.constant 1 : i32
        %sub3A_256 = vector.broadcast %sub3A_255 : i32 to vector<16xi32>
        %sub3A_257 = arith.subi %add3A_254, %sub3A_256 : vector<16xi32>
        %add3A_258 = arith.addi %masked_cumsum3A_195, %sub3A_257 : vector<16xi32>
        %add3A_259 = arith.constant 5504 : i32
        %add3A_260 = vector.broadcast %add3A_259 : i32 to vector<16xi32>
        %add3A_261 = arith.addi %add3A_260, %iota3A : vector<16xi32>
        %min3A_262 = arith.minsi %add3A_258, %add3A_261 : vector<16xi32>
        %add3A_263 = arith.constant 5520 : i32
        %add3A_264 = vector.broadcast %add3A_263 : i32 to vector<16xi32>
        %add3A_265 = arith.addi %add3A_264, %iota3A : vector<16xi32>
        %select_n3A_266 = arith.select %and3A_168, %min3A_262, %add3A_265 : vector<16xi1>, vector<16xi32>
        %get3A_267 = arith.constant 1 : i32
        %get3A_268 = arith.index_cast %get3A_267 : i32 to index
        %get3A_269 = arith.index_cast %mul3A_120 : i32 to index
        %get3A_270 = tpu.vector_load %arg6[%get3A_268, %get3A_269] {strides = array<i32>} : memref<3x1600xi32, #tpu.memory_space<vmem>>, vector<16xi32>,
        tpu.vector_store_idx %arg7[%select_n3A_266], %get3A_270 : memref<5536xi32, #tpu.memory_space<vmem>>[vector<16xi32>], vector<16xi32>,
        tpu.vector_store_idx %arg8[%select_n3A_266], %sub3A_144 : memref<5536xi32, #tpu.memory_space<vmem>>[vector<16xi32>], vector<16xi32>,
        %get3A_271 = arith.constant 2 : i32
        %get3A_272 = arith.index_cast %get3A_271 : i32 to index
        %get3A_273 = arith.index_cast %mul3A_120 : i32 to index
        %get3A_274 = tpu.vector_load %arg6[%get3A_272, %get3A_273] {strides = array<i32>} : memref<3x1600xi32, #tpu.memory_space<vmem>>, vector<16xi32>,
        %bitcast3A_275 = vector.bitcast %get3A_274 : vector<16xi32> to vector<16xf32>
        tpu.vector_store_idx %arg9[%select_n3A_266], %bitcast3A_275 : memref<5536xf32, #tpu.memory_space<vmem>>[vector<16xi32>], vector<16xf32>,
        %add3A_276 = arith.addi %add3A_254, %gather3A_226 : vector<16xi32>
        %sub3A_277 = arith.constant 1 : i32
        %sub3A_278 = vector.broadcast %sub3A_277 : i32 to vector<16xi32>
        %sub3A_279 = arith.subi %add3A_276, %sub3A_278 : vector<16xi32>
        %add3A_280 = arith.addi %masked_cumsum3A_203, %sub3A_279 : vector<16xi32>
        %add3A_281 = arith.constant 5504 : i32
        %add3A_282 = vector.broadcast %add3A_281 : i32 to vector<16xi32>
        %add3A_283 = arith.addi %add3A_282, %iota3A : vector<16xi32>
        %min3A_284 = arith.minsi %add3A_280, %add3A_283 : vector<16xi32>
        %add3A_285 = arith.constant 5520 : i32
        %add3A_286 = vector.broadcast %add3A_285 : i32 to vector<16xi32>
        %add3A_287 = arith.addi %add3A_286, %iota3A : vector<16xi32>
        %select_n3A_288 = arith.select %and3A_175, %min3A_284, %add3A_287 : vector<16xi1>, vector<16xi32>
        %get3A_289 = arith.constant 1 : i32
        %get3A_290 = arith.index_cast %get3A_289 : i32 to index
        %get3A_291 = arith.index_cast %mul3A_126 : i32 to index
        %get3A_292 = tpu.vector_load %arg6[%get3A_290, %get3A_291] {strides = array<i32>} : memref<3x1600xi32, #tpu.memory_space<vmem>>, vector<16xi32>,
        tpu.vector_store_idx %arg7[%select_n3A_288], %get3A_292 : memref<5536xi32, #tpu.memory_space<vmem>>[vector<16xi32>], vector<16xi32>,
        tpu.vector_store_idx %arg8[%select_n3A_288], %sub3A_150 : memref<5536xi32, #tpu.memory_space<vmem>>[vector<16xi32>], vector<16xi32>,
        %get3A_293 = arith.constant 2 : i32
        %get3A_294 = arith.index_cast %get3A_293 : i32 to index
        %get3A_295 = arith.index_cast %mul3A_126 : i32 to index
        %get3A_296 = tpu.vector_load %arg6[%get3A_294, %get3A_295] {strides = array<i32>} : memref<3x1600xi32, #tpu.memory_space<vmem>>, vector<16xi32>,
        %bitcast3A_297 = vector.bitcast %get3A_296 : vector<16xi32> to vector<16xf32>
        tpu.vector_store_idx %arg9[%select_n3A_288], %bitcast3A_297 : memref<5536xf32, #tpu.memory_space<vmem>>[vector<16xi32>], vector<16xf32>,
        %add3A_298 = arith.addi %add3A_276, %gather3A_230 : vector<16xi32>
        %sub3A_299 = arith.constant 1 : i32
        %sub3A_300 = vector.broadcast %sub3A_299 : i32 to vector<16xi32>
        %sub3A_301 = arith.subi %add3A_298, %sub3A_300 : vector<16xi32>
        %add3A_302 = arith.addi %masked_cumsum3A_211, %sub3A_301 : vector<16xi32>
        %add3A_303 = arith.constant 5504 : i32
        %add3A_304 = vector.broadcast %add3A_303 : i32 to vector<16xi32>
        %add3A_305 = arith.addi %add3A_304, %iota3A : vector<16xi32>
        %min3A_306 = arith.minsi %add3A_302, %add3A_305 : vector<16xi32>
        %add3A_307 = arith.constant 5520 : i32
        %add3A_308 = vector.broadcast %add3A_307 : i32 to vector<16xi32>
        %add3A_309 = arith.addi %add3A_308, %iota3A : vector<16xi32>
        %select_n3A_310 = arith.select %and3A_182, %min3A_306, %add3A_309 : vector<16xi1>, vector<16xi32>
        %get3A_311 = arith.constant 1 : i32
        %get3A_312 = arith.index_cast %get3A_311 : i32 to index
        %get3A_313 = arith.index_cast %mul3A_132 : i32 to index
        %get3A_314 = tpu.vector_load %arg6[%get3A_312, %get3A_313] {strides = array<i32>} : memref<3x1600xi32, #tpu.memory_space<vmem>>, vector<16xi32>,
        tpu.vector_store_idx %arg7[%select_n3A_310], %get3A_314 : memref<5536xi32, #tpu.memory_space<vmem>>[vector<16xi32>], vector<16xi32>,
        tpu.vector_store_idx %arg8[%select_n3A_310], %sub3A_156 : memref<5536xi32, #tpu.memory_space<vmem>>[vector<16xi32>], vector<16xi32>,
        %get3A_315 = arith.constant 2 : i32
        %get3A_316 = arith.index_cast %get3A_315 : i32 to index
        %get3A_317 = arith.index_cast %mul3A_132 : i32 to index
        %get3A_318 = tpu.vector_load %arg6[%get3A_316, %get3A_317] {strides = array<i32>} : memref<3x1600xi32, #tpu.memory_space<vmem>>, vector<16xi32>,
        %bitcast3A_319 = vector.bitcast %get3A_318 : vector<16xi32> to vector<16xf32>
        tpu.vector_store_idx %arg9[%select_n3A_310], %bitcast3A_319 : memref<5536xf32, #tpu.memory_space<vmem>>[vector<16xi32>], vector<16xf32>,
        %add3A_320 = arith.addi %add3A_298, %gather3A_234 : vector<16xi32>
        %swap3A_321 = arith.constant 0 : index
        %swap3A_322 = tpu.vector_load %arg11[%swap3A_321] {strides = array<i32>} : memref<16xi32, #tpu.memory_space<vmem>>, vector<16xi32>,
        tpu.vector_store %arg11[%swap3A_321], %add3A_320 {strides = array<i32>} : memref<16xi32, #tpu.memory_space<vmem>>, vector<16xi32>,
        %scan3A_323 = arith.constant 0 : i32
        scf.yield %scan3A_323 : i32
      }
      %scan3A_105 = arith.constant 25 : i32
      %scan3A_106 = arith.constant 0 : i32
      scf.yield %scan3A_106 : i32
    }
    %scan3A_34 = arith.constant 50 : i32
    %dma_start3A_35 = arith.constant 0 : i32
    %dma_start3A_36 = tpu.memref_slice %arg7[%dma_start3A_35] : memref<5536xi32, #tpu.memory_space<vmem>> -> memref<32xi32, #tpu.memory_space<vmem>>
    %dma_start3A_37 = arith.constant 0 : i32
    %dma_start3A_38 = arith.constant 0 : i32
    %dma_start3A_39 = tpu.memref_slice %arg2[%dma_start3A_37, %dma_start3A_38] : memref<10000x256xf32, #tpu.memory_space<hbm>> -> memref<10000x256xf32, #tpu.memory_space<hbm>>
    tpu.enqueue_indirect_dma source(%dma_start3A_39 : memref<10000x256xf32, #tpu.memory_space<hbm>>) target(%arg12 : memref<32x256xf32, #tpu.memory_space<vmem>>) offsets(%dma_start3A_36 : memref<32xi32, #tpu.memory_space<vmem>>) semaphore(%arg15 : memref<!tpu.dma_semaphore, #tpu.memory_space<semaphore_mem>>)
    %scan3A_40 = arith.constant 0 : i32
    %scan3A_41 = arith.constant 0 : i32
    %scan3A_42 = arith.constant 86 : i32
    %scan3A_43 = arith.addi %scan3A_41, %scan3A_42 : i32
    %scan3A_44 = arith.constant 1 : i32
    %scan3A_45 = scf.for %scan3A_49 = %scan3A_41 to %scan3A_43 step %scan3A_44 iter_args(%scan3A_50 = %scan3A_40) -> (i32)  : i32 {
      %mul3A_51 = arith.constant 2 : i32
      %mul3A_52 = arith.muli %mul3A_51, %scan3A_49 : i32
      %add3A_53 = arith.constant 1 : i32
      %add3A_54 = arith.addi %mul3A_52, %add3A_53 : i32
      %mul3A_55 = arith.constant 32 : i32
      %mul3A_56 = arith.muli %add3A_54, %mul3A_55 : i32
      %dma_start3A_57 = tpu.memref_slice %arg7[%mul3A_56] : memref<5536xi32, #tpu.memory_space<vmem>> -> memref<32xi32, #tpu.memory_space<vmem>>
      %dma_start3A_58 = arith.constant 0 : i32
      %dma_start3A_59 = arith.constant 0 : i32
      %dma_start3A_60 = tpu.memref_slice %arg2[%dma_start3A_58, %dma_start3A_59] : memref<10000x256xf32, #tpu.memory_space<hbm>> -> memref<10000x256xf32, #tpu.memory_space<hbm>>
      tpu.enqueue_indirect_dma source(%dma_start3A_60 : memref<10000x256xf32, #tpu.memory_space<hbm>>) target(%arg13 : memref<32x256xf32, #tpu.memory_space<vmem>>) offsets(%dma_start3A_57 : memref<32xi32, #tpu.memory_space<vmem>>) semaphore(%arg16 : memref<!tpu.dma_semaphore, #tpu.memory_space<semaphore_mem>>)
      %mul3A_61 = arith.constant 32 : i32
      %mul3A_62 = arith.muli %mul3A_52, %mul3A_61 : i32
      %dma_wait3A = tpu.memref_slice %arg7[%mul3A_62] : memref<5536xi32, #tpu.memory_space<vmem>> -> memref<32xi32, #tpu.memory_space<vmem>>
      %dma_wait3A_63 = arith.constant 0 : i32
      %dma_wait3A_64 = arith.constant 0 : i32
      %dma_wait3A_65 = tpu.memref_slice %arg2[%dma_wait3A_63, %dma_wait3A_64] : memref<10000x256xf32, #tpu.memory_space<hbm>> -> memref<10000x256xf32, #tpu.memory_space<hbm>>
      tpu.wait_indirect_dma semaphore(%arg15 : memref<!tpu.dma_semaphore, #tpu.memory_space<semaphore_mem>>) src(%dma_wait3A_65 : memref<10000x256xf32, #tpu.memory_space<hbm>>) dst(%arg12 : memref<32x256xf32, #tpu.memory_space<vmem>>)
      %mul3A_66 = arith.constant 32 : i32
      %mul3A_67 = arith.muli %mul3A_52, %mul3A_66 : i32
      %scan3A_68 = arith.constant 0 : i32
      %scan3A_69 = arith.constant 0 : i32
      %scan3A_70 = arith.constant 32 : i32
      %scan3A_71 = arith.addi %scan3A_69, %scan3A_70 : i32
      %scan3A_72 = arith.constant 1 : i32
      %scan3A_73 = scf.for %scan3A_101 = %scan3A_69 to %scan3A_71 step %scan3A_72 iter_args(%scan3A_102 = %scan3A_68) -> (i32)  : i32 {
        %iota3A = tpu.iota {dimensions = array<i32: 0>} : vector<16xi32>
        %add3A_103 = arith.addi %mul3A_67, %scan3A_101 : i32
        %add3A_104 = vector.broadcast %add3A_103 : i32 to vector<16xi32>
        %add3A_105 = arith.addi %broadcast_in_dim3A_5, %add3A_104 : vector<16xi32>
        %gather3A = tpu.vector_load_idx %arg8[%add3A_105] : memref<5536xi32, #tpu.memory_space<vmem>>[vector<16xi32>], vector<16xi32>,
        %add3A_106 = arith.addi %mul3A_67, %scan3A_101 : i32
        %add3A_107 = vector.broadcast %add3A_106 : i32 to vector<16xi32>
        %add3A_108 = arith.addi %broadcast_in_dim3A_5, %add3A_107 : vector<16xi32>
        %gather3A_109 = tpu.vector_load_idx %arg9[%add3A_108] : memref<5536xf32, #tpu.memory_space<vmem>>[vector<16xi32>], vector<16xf32>,
        %add3A_110 = arith.constant 0 : i32
        %add3A_111 = vector.broadcast %add3A_110 : i32 to vector<16xi32>
        %add3A_112 = arith.addi %iota3A, %add3A_111 : vector<16xi32>
        %get3A = arith.index_cast %scan3A_101 : i32 to index
        %get3A_113 = arith.constant 0 : index
        %get3A_114 = tpu.vector_load %arg12[%get3A, %get3A_113] {strides = array<i32>} : memref<32x256xf32, #tpu.memory_space<vmem>>, vector<16xf32>,
        %mul3A_115 = arith.mulf %get3A_114, %gather3A_109 : vector<16xf32>
        tpu.vector_store_idx %arg14[%gather3A, %add3A_112], %mul3A_115 {add = true} : memref<321x256xf32, #tpu.memory_space<vmem>>[vector<16xi32>, vector<16xi32>], vector<16xf32>,
        %add3A_116 = arith.constant 16 : i32
        %add3A_117 = vector.broadcast %add3A_116 : i32 to vector<16xi32>
        %add3A_118 = arith.addi %iota3A, %add3A_117 : vector<16xi32>
        %get3A_119 = arith.index_cast %scan3A_101 : i32 to index
        %get3A_120 = arith.constant 16 : index
        %get3A_121 = tpu.vector_load %arg12[%get3A_119, %get3A_120] {strides = array<i32>} : memref<32x256xf32, #tpu.memory_space<vmem>>, vector<16xf32>,
        %mul3A_122 = arith.mulf %get3A_121, %gather3A_109 : vector<16xf32>
        tpu.vector_store_idx %arg14[%gather3A, %add3A_118], %mul3A_122 {add = true} : memref<321x256xf32, #tpu.memory_space<vmem>>[vector<16xi32>, vector<16xi32>], vector<16xf32>,
        %add3A_123 = arith.constant 32 : i32
        %add3A_124 = vector.broadcast %add3A_123 : i32 to vector<16xi32>
        %add3A_125 = arith.addi %iota3A, %add3A_124 : vector<16xi32>
        %get3A_126 = arith.index_cast %scan3A_101 : i32 to index
        %get3A_127 = arith.constant 32 : index
        %get3A_128 = tpu.vector_load %arg12[%get3A_126, %get3A_127] {strides = array<i32>} : memref<32x256xf32, #tpu.memory_space<vmem>>, vector<16xf32>,
        %mul3A_129 = arith.mulf %get3A_128, %gather3A_109 : vector<16xf32>
        tpu.vector_store_idx %arg14[%gather3A, %add3A_125], %mul3A_129 {add = true} : memref<321x256xf32, #tpu.memory_space<vmem>>[vector<16xi32>, vector<16xi32>], vector<16xf32>,
        %add3A_130 = arith.constant 48 : i32
        %add3A_131 = vector.broadcast %add3A_130 : i32 to vector<16xi32>
        %add3A_132 = arith.addi %iota3A, %add3A_131 : vector<16xi32>
        %get3A_133 = arith.index_cast %scan3A_101 : i32 to index
        %get3A_134 = arith.constant 48 : index
        %get3A_135 = tpu.vector_load %arg12[%get3A_133, %get3A_134] {strides = array<i32>} : memref<32x256xf32, #tpu.memory_space<vmem>>, vector<16xf32>,
        %mul3A_136 = arith.mulf %get3A_135, %gather3A_109 : vector<16xf32>
        tpu.vector_store_idx %arg14[%gather3A, %add3A_132], %mul3A_136 {add = true} : memref<321x256xf32, #tpu.memory_space<vmem>>[vector<16xi32>, vector<16xi32>], vector<16xf32>,
        %add3A_137 = arith.constant 64 : i32
        %add3A_138 = vector.broadcast %add3A_137 : i32 to vector<16xi32>
        %add3A_139 = arith.addi %iota3A, %add3A_138 : vector<16xi32>
        %get3A_140 = arith.index_cast %scan3A_101 : i32 to index
        %get3A_141 = arith.constant 64 : index
        %get3A_142 = tpu.vector_load %arg12[%get3A_140, %get3A_141] {strides = array<i32>} : memref<32x256xf32, #tpu.memory_space<vmem>>, vector<16xf32>,
        %mul3A_143 = arith.mulf %get3A_142, %gather3A_109 : vector<16xf32>
        tpu.vector_store_idx %arg14[%gather3A, %add3A_139], %mul3A_143 {add = true} : memref<321x256xf32, #tpu.memory_space<vmem>>[vector<16xi32>, vector<16xi32>], vector<16xf32>,
        %add3A_144 = arith.constant 80 : i32
        %add3A_145 = vector.broadcast %add3A_144 : i32 to vector<16xi32>
        %add3A_146 = arith.addi %iota3A, %add3A_145 : vector<16xi32>
        %get3A_147 = arith.index_cast %scan3A_101 : i32 to index
        %get3A_148 = arith.constant 80 : index
        %get3A_149 = tpu.vector_load %arg12[%get3A_147, %get3A_148] {strides = array<i32>} : memref<32x256xf32, #tpu.memory_space<vmem>>, vector<16xf32>,
        %mul3A_150 = arith.mulf %get3A_149, %gather3A_109 : vector<16xf32>
        tpu.vector_store_idx %arg14[%gather3A, %add3A_146], %mul3A_150 {add = true} : memref<321x256xf32, #tpu.memory_space<vmem>>[vector<16xi32>, vector<16xi32>], vector<16xf32>,
        %add3A_151 = arith.constant 96 : i32
        %add3A_152 = vector.broadcast %add3A_151 : i32 to vector<16xi32>
        %add3A_153 = arith.addi %iota3A, %add3A_152 : vector<16xi32>
        %get3A_154 = arith.index_cast %scan3A_101 : i32 to index
        %get3A_155 = arith.constant 96 : index
        %get3A_156 = tpu.vector_load %arg12[%get3A_154, %get3A_155] {strides = array<i32>} : memref<32x256xf32, #tpu.memory_space<vmem>>, vector<16xf32>,
        %mul3A_157 = arith.mulf %get3A_156, %gather3A_109 : vector<16xf32>
        tpu.vector_store_idx %arg14[%gather3A, %add3A_153], %mul3A_157 {add = true} : memref<321x256xf32, #tpu.memory_space<vmem>>[vector<16xi32>, vector<16xi32>], vector<16xf32>,
        %add3A_158 = arith.constant 112 : i32
        %add3A_159 = vector.broadcast %add3A_158 : i32 to vector<16xi32>
        %add3A_160 = arith.addi %iota3A, %add3A_159 : vector<16xi32>
        %get3A_161 = arith.index_cast %scan3A_101 : i32 to index
        %get3A_162 = arith.constant 112 : index
        %get3A_163 = tpu.vector_load %arg12[%get3A_161, %get3A_162] {strides = array<i32>} : memref<32x256xf32, #tpu.memory_space<vmem>>, vector<16xf32>,
        %mul3A_164 = arith.mulf %get3A_163, %gather3A_109 : vector<16xf32>
        tpu.vector_store_idx %arg14[%gather3A, %add3A_160], %mul3A_164 {add = true} : memref<321x256xf32, #tpu.memory_space<vmem>>[vector<16xi32>, vector<16xi32>], vector<16xf32>,
        %add3A_165 = arith.constant 128 : i32
        %add3A_166 = vector.broadcast %add3A_165 : i32 to vector<16xi32>
        %add3A_167 = arith.addi %iota3A, %add3A_166 : vector<16xi32>
        %get3A_168 = arith.index_cast %scan3A_101 : i32 to index
        %get3A_169 = arith.constant 128 : index
        %get3A_170 = tpu.vector_load %arg12[%get3A_168, %get3A_169] {strides = array<i32>} : memref<32x256xf32, #tpu.memory_space<vmem>>, vector<16xf32>,
        %mul3A_171 = arith.mulf %get3A_170, %gather3A_109 : vector<16xf32>
        tpu.vector_store_idx %arg14[%gather3A, %add3A_167], %mul3A_171 {add = true} : memref<321x256xf32, #tpu.memory_space<vmem>>[vector<16xi32>, vector<16xi32>], vector<16xf32>,
        %add3A_172 = arith.constant 144 : i32
        %add3A_173 = vector.broadcast %add3A_172 : i32 to vector<16xi32>
        %add3A_174 = arith.addi %iota3A, %add3A_173 : vector<16xi32>
        %get3A_175 = arith.index_cast %scan3A_101 : i32 to index
        %get3A_176 = arith.constant 144 : index
        %get3A_177 = tpu.vector_load %arg12[%get3A_175, %get3A_176] {strides = array<i32>} : memref<32x256xf32, #tpu.memory_space<vmem>>, vector<16xf32>,
        %mul3A_178 = arith.mulf %get3A_177, %gather3A_109 : vector<16xf32>
        tpu.vector_store_idx %arg14[%gather3A, %add3A_174], %mul3A_178 {add = true} : memref<321x256xf32, #tpu.memory_space<vmem>>[vector<16xi32>, vector<16xi32>], vector<16xf32>,
        %add3A_179 = arith.constant 160 : i32
        %add3A_180 = vector.broadcast %add3A_179 : i32 to vector<16xi32>
        %add3A_181 = arith.addi %iota3A, %add3A_180 : vector<16xi32>
        %get3A_182 = arith.index_cast %scan3A_101 : i32 to index
        %get3A_183 = arith.constant 160 : index
        %get3A_184 = tpu.vector_load %arg12[%get3A_182, %get3A_183] {strides = array<i32>} : memref<32x256xf32, #tpu.memory_space<vmem>>, vector<16xf32>,
        %mul3A_185 = arith.mulf %get3A_184, %gather3A_109 : vector<16xf32>
        tpu.vector_store_idx %arg14[%gather3A, %add3A_181], %mul3A_185 {add = true} : memref<321x256xf32, #tpu.memory_space<vmem>>[vector<16xi32>, vector<16xi32>], vector<16xf32>,
        %add3A_186 = arith.constant 176 : i32
        %add3A_187 = vector.broadcast %add3A_186 : i32 to vector<16xi32>
        %add3A_188 = arith.addi %iota3A, %add3A_187 : vector<16xi32>
        %get3A_189 = arith.index_cast %scan3A_101 : i32 to index
        %get3A_190 = arith.constant 176 : index
        %get3A_191 = tpu.vector_load %arg12[%get3A_189, %get3A_190] {strides = array<i32>} : memref<32x256xf32, #tpu.memory_space<vmem>>, vector<16xf32>,
        %mul3A_192 = arith.mulf %get3A_191, %gather3A_109 : vector<16xf32>
        tpu.vector_store_idx %arg14[%gather3A, %add3A_188], %mul3A_192 {add = true} : memref<321x256xf32, #tpu.memory_space<vmem>>[vector<16xi32>, vector<16xi32>], vector<16xf32>,
        %add3A_193 = arith.constant 192 : i32
        %add3A_194 = vector.broadcast %add3A_193 : i32 to vector<16xi32>
        %add3A_195 = arith.addi %iota3A, %add3A_194 : vector<16xi32>
        %get3A_196 = arith.index_cast %scan3A_101 : i32 to index
        %get3A_197 = arith.constant 192 : index
        %get3A_198 = tpu.vector_load %arg12[%get3A_196, %get3A_197] {strides = array<i32>} : memref<32x256xf32, #tpu.memory_space<vmem>>, vector<16xf32>,
        %mul3A_199 = arith.mulf %get3A_198, %gather3A_109 : vector<16xf32>
        tpu.vector_store_idx %arg14[%gather3A, %add3A_195], %mul3A_199 {add = true} : memref<321x256xf32, #tpu.memory_space<vmem>>[vector<16xi32>, vector<16xi32>], vector<16xf32>,
        %add3A_200 = arith.constant 208 : i32
        %add3A_201 = vector.broadcast %add3A_200 : i32 to vector<16xi32>
        %add3A_202 = arith.addi %iota3A, %add3A_201 : vector<16xi32>
        %get3A_203 = arith.index_cast %scan3A_101 : i32 to index
        %get3A_204 = arith.constant 208 : index
        %get3A_205 = tpu.vector_load %arg12[%get3A_203, %get3A_204] {strides = array<i32>} : memref<32x256xf32, #tpu.memory_space<vmem>>, vector<16xf32>,
        %mul3A_206 = arith.mulf %get3A_205, %gather3A_109 : vector<16xf32>
        tpu.vector_store_idx %arg14[%gather3A, %add3A_202], %mul3A_206 {add = true} : memref<321x256xf32, #tpu.memory_space<vmem>>[vector<16xi32>, vector<16xi32>], vector<16xf32>,
        %add3A_207 = arith.constant 224 : i32
        %add3A_208 = vector.broadcast %add3A_207 : i32 to vector<16xi32>
        %add3A_209 = arith.addi %iota3A, %add3A_208 : vector<16xi32>
        %get3A_210 = arith.index_cast %scan3A_101 : i32 to index
        %get3A_211 = arith.constant 224 : index
        %get3A_212 = tpu.vector_load %arg12[%get3A_210, %get3A_211] {strides = array<i32>} : memref<32x256xf32, #tpu.memory_space<vmem>>, vector<16xf32>,
        %mul3A_213 = arith.mulf %get3A_212, %gather3A_109 : vector<16xf32>
        tpu.vector_store_idx %arg14[%gather3A, %add3A_209], %mul3A_213 {add = true} : memref<321x256xf32, #tpu.memory_space<vmem>>[vector<16xi32>, vector<16xi32>], vector<16xf32>,
        %add3A_214 = arith.constant 240 : i32
        %add3A_215 = vector.broadcast %add3A_214 : i32 to vector<16xi32>
        %add3A_216 = arith.addi %iota3A, %add3A_215 : vector<16xi32>
        %get3A_217 = arith.index_cast %scan3A_101 : i32 to index
        %get3A_218 = arith.constant 240 : index
        %get3A_219 = tpu.vector_load %arg12[%get3A_217, %get3A_218] {strides = array<i32>} : memref<32x256xf32, #tpu.memory_space<vmem>>, vector<16xf32>,
        %mul3A_220 = arith.mulf %get3A_219, %gather3A_109 : vector<16xf32>
        tpu.vector_store_idx %arg14[%gather3A, %add3A_216], %mul3A_220 {add = true} : memref<321x256xf32, #tpu.memory_space<vmem>>[vector<16xi32>, vector<16xi32>], vector<16xf32>,
        %scan3A_221 = arith.constant 0 : i32
        scf.yield %scan3A_221 : i32
      }
      %scan3A_74 = arith.constant 32 : i32
      %add3A_75 = arith.constant 2 : i32
      %add3A_76 = arith.addi %mul3A_52, %add3A_75 : i32
      %lt3A = arith.constant 172 : i32
      %lt3A_77 = arith.cmpi slt, %add3A_76, %lt3A : i32
      %convert_element_type3A_78 = arith.extui %lt3A_77 : i1 to i32
      %cond3A_79 = arith.constant 0 : i32
      %cond3A_80 = arith.cmpi ne, %convert_element_type3A_78, %cond3A_79 : i32
      scf.if %cond3A_80 {
        %add3A_101 = arith.constant 2 : i32
        %add3A_102 = arith.addi %mul3A_52, %add3A_101 : i32
        %mul3A_103 = arith.constant 32 : i32
        %mul3A_104 = arith.muli %add3A_102, %mul3A_103 : i32
        %dma_start3A_105 = tpu.memref_slice %arg7[%mul3A_104] : memref<5536xi32, #tpu.memory_space<vmem>> -> memref<32xi32, #tpu.memory_space<vmem>>
        %dma_start3A_106 = arith.constant 0 : i32
        %dma_start3A_107 = arith.constant 0 : i32
        %dma_start3A_108 = tpu.memref_slice %arg2[%dma_start3A_106, %dma_start3A_107] : memref<10000x256xf32, #tpu.memory_space<hbm>> -> memref<10000x256xf32, #tpu.memory_space<hbm>>
        tpu.enqueue_indirect_dma source(%dma_start3A_108 : memref<10000x256xf32, #tpu.memory_space<hbm>>) target(%arg12 : memref<32x256xf32, #tpu.memory_space<vmem>>) offsets(%dma_start3A_105 : memref<32xi32, #tpu.memory_space<vmem>>) semaphore(%arg15 : memref<!tpu.dma_semaphore, #tpu.memory_space<semaphore_mem>>)
      } else {
      }
      %add3A_81 = arith.constant 1 : i32
      %add3A_82 = arith.addi %mul3A_52, %add3A_81 : i32
      %mul3A_83 = arith.constant 32 : i32
      %mul3A_84 = arith.muli %add3A_82, %mul3A_83 : i32
      %dma_wait3A_85 = tpu.memref_slice %arg7[%mul3A_84] : memref<5536xi32, #tpu.memory_space<vmem>> -> memref<32xi32, #tpu.memory_space<vmem>>
      %dma_wait3A_86 = arith.constant 0 : i32
      %dma_wait3A_87 = arith.constant 0 : i32
      %dma_wait3A_88 = tpu.memref_slice %arg2[%dma_wait3A_86, %dma_wait3A_87] : memref<10000x256xf32, #tpu.memory_space<hbm>> -> memref<10000x256xf32, #tpu.memory_space<hbm>>
      tpu.wait_indirect_dma semaphore(%arg16 : memref<!tpu.dma_semaphore, #tpu.memory_space<semaphore_mem>>) src(%dma_wait3A_88 : memref<10000x256xf32, #tpu.memory_space<hbm>>) dst(%arg13 : memref<32x256xf32, #tpu.memory_space<vmem>>)
      %add3A_89 = arith.constant 1 : i32
      %add3A_90 = arith.addi %mul3A_52, %add3A_89 : i32
      %mul3A_91 = arith.constant 32 : i32
      %mul3A_92 = arith.muli %add3A_90, %mul3A_91 : i32
      %scan3A_93 = arith.constant 0 : i32
      %scan3A_94 = arith.constant 0 : i32
      %scan3A_95 = arith.constant 32 : i32
      %scan3A_96 = arith.addi %scan3A_94, %scan3A_95 : i32
      %scan3A_97 = arith.constant 1 : i32
      %scan3A_98 = scf.for %scan3A_101 = %scan3A_94 to %scan3A_96 step %scan3A_97 iter_args(%scan3A_102 = %scan3A_93) -> (i32)  : i32 {
        %iota3A = tpu.iota {dimensions = array<i32: 0>} : vector<16xi32>
        %add3A_103 = arith.addi %mul3A_92, %scan3A_101 : i32
        %add3A_104 = vector.broadcast %add3A_103 : i32 to vector<16xi32>
        %add3A_105 = arith.addi %broadcast_in_dim3A_5, %add3A_104 : vector<16xi32>
        %gather3A = tpu.vector_load_idx %arg8[%add3A_105] : memref<5536xi32, #tpu.memory_space<vmem>>[vector<16xi32>], vector<16xi32>,
        %add3A_106 = arith.addi %mul3A_92, %scan3A_101 : i32
        %add3A_107 = vector.broadcast %add3A_106 : i32 to vector<16xi32>
        %add3A_108 = arith.addi %broadcast_in_dim3A_5, %add3A_107 : vector<16xi32>
        %gather3A_109 = tpu.vector_load_idx %arg9[%add3A_108] : memref<5536xf32, #tpu.memory_space<vmem>>[vector<16xi32>], vector<16xf32>,
        %add3A_110 = arith.constant 0 : i32
        %add3A_111 = vector.broadcast %add3A_110 : i32 to vector<16xi32>
        %add3A_112 = arith.addi %iota3A, %add3A_111 : vector<16xi32>
        %get3A = arith.index_cast %scan3A_101 : i32 to index
        %get3A_113 = arith.constant 0 : index
        %get3A_114 = tpu.vector_load %arg13[%get3A, %get3A_113] {strides = array<i32>} : memref<32x256xf32, #tpu.memory_space<vmem>>, vector<16xf32>,
        %mul3A_115 = arith.mulf %get3A_114, %gather3A_109 : vector<16xf32>
        tpu.vector_store_idx %arg14[%gather3A, %add3A_112], %mul3A_115 {add = true} : memref<321x256xf32, #tpu.memory_space<vmem>>[vector<16xi32>, vector<16xi32>], vector<16xf32>,
        %add3A_116 = arith.constant 16 : i32
        %add3A_117 = vector.broadcast %add3A_116 : i32 to vector<16xi32>
        %add3A_118 = arith.addi %iota3A, %add3A_117 : vector<16xi32>
        %get3A_119 = arith.index_cast %scan3A_101 : i32 to index
        %get3A_120 = arith.constant 16 : index
        %get3A_121 = tpu.vector_load %arg13[%get3A_119, %get3A_120] {strides = array<i32>} : memref<32x256xf32, #tpu.memory_space<vmem>>, vector<16xf32>,
        %mul3A_122 = arith.mulf %get3A_121, %gather3A_109 : vector<16xf32>
        tpu.vector_store_idx %arg14[%gather3A, %add3A_118], %mul3A_122 {add = true} : memref<321x256xf32, #tpu.memory_space<vmem>>[vector<16xi32>, vector<16xi32>], vector<16xf32>,
        %add3A_123 = arith.constant 32 : i32
        %add3A_124 = vector.broadcast %add3A_123 : i32 to vector<16xi32>
        %add3A_125 = arith.addi %iota3A, %add3A_124 : vector<16xi32>
        %get3A_126 = arith.index_cast %scan3A_101 : i32 to index
        %get3A_127 = arith.constant 32 : index
        %get3A_128 = tpu.vector_load %arg13[%get3A_126, %get3A_127] {strides = array<i32>} : memref<32x256xf32, #tpu.memory_space<vmem>>, vector<16xf32>,
        %mul3A_129 = arith.mulf %get3A_128, %gather3A_109 : vector<16xf32>
        tpu.vector_store_idx %arg14[%gather3A, %add3A_125], %mul3A_129 {add = true} : memref<321x256xf32, #tpu.memory_space<vmem>>[vector<16xi32>, vector<16xi32>], vector<16xf32>,
        %add3A_130 = arith.constant 48 : i32
        %add3A_131 = vector.broadcast %add3A_130 : i32 to vector<16xi32>
        %add3A_132 = arith.addi %iota3A, %add3A_131 : vector<16xi32>
        %get3A_133 = arith.index_cast %scan3A_101 : i32 to index
        %get3A_134 = arith.constant 48 : index
        %get3A_135 = tpu.vector_load %arg13[%get3A_133, %get3A_134] {strides = array<i32>} : memref<32x256xf32, #tpu.memory_space<vmem>>, vector<16xf32>,
        %mul3A_136 = arith.mulf %get3A_135, %gather3A_109 : vector<16xf32>
        tpu.vector_store_idx %arg14[%gather3A, %add3A_132], %mul3A_136 {add = true} : memref<321x256xf32, #tpu.memory_space<vmem>>[vector<16xi32>, vector<16xi32>], vector<16xf32>,
        %add3A_137 = arith.constant 64 : i32
        %add3A_138 = vector.broadcast %add3A_137 : i32 to vector<16xi32>
        %add3A_139 = arith.addi %iota3A, %add3A_138 : vector<16xi32>
        %get3A_140 = arith.index_cast %scan3A_101 : i32 to index
        %get3A_141 = arith.constant 64 : index
        %get3A_142 = tpu.vector_load %arg13[%get3A_140, %get3A_141] {strides = array<i32>} : memref<32x256xf32, #tpu.memory_space<vmem>>, vector<16xf32>,
        %mul3A_143 = arith.mulf %get3A_142, %gather3A_109 : vector<16xf32>
        tpu.vector_store_idx %arg14[%gather3A, %add3A_139], %mul3A_143 {add = true} : memref<321x256xf32, #tpu.memory_space<vmem>>[vector<16xi32>, vector<16xi32>], vector<16xf32>,
        %add3A_144 = arith.constant 80 : i32
        %add3A_145 = vector.broadcast %add3A_144 : i32 to vector<16xi32>
        %add3A_146 = arith.addi %iota3A, %add3A_145 : vector<16xi32>
        %get3A_147 = arith.index_cast %scan3A_101 : i32 to index
        %get3A_148 = arith.constant 80 : index
        %get3A_149 = tpu.vector_load %arg13[%get3A_147, %get3A_148] {strides = array<i32>} : memref<32x256xf32, #tpu.memory_space<vmem>>, vector<16xf32>,
        %mul3A_150 = arith.mulf %get3A_149, %gather3A_109 : vector<16xf32>
        tpu.vector_store_idx %arg14[%gather3A, %add3A_146], %mul3A_150 {add = true} : memref<321x256xf32, #tpu.memory_space<vmem>>[vector<16xi32>, vector<16xi32>], vector<16xf32>,
        %add3A_151 = arith.constant 96 : i32
        %add3A_152 = vector.broadcast %add3A_151 : i32 to vector<16xi32>
        %add3A_153 = arith.addi %iota3A, %add3A_152 : vector<16xi32>
        %get3A_154 = arith.index_cast %scan3A_101 : i32 to index
        %get3A_155 = arith.constant 96 : index
        %get3A_156 = tpu.vector_load %arg13[%get3A_154, %get3A_155] {strides = array<i32>} : memref<32x256xf32, #tpu.memory_space<vmem>>, vector<16xf32>,
        %mul3A_157 = arith.mulf %get3A_156, %gather3A_109 : vector<16xf32>
        tpu.vector_store_idx %arg14[%gather3A, %add3A_153], %mul3A_157 {add = true} : memref<321x256xf32, #tpu.memory_space<vmem>>[vector<16xi32>, vector<16xi32>], vector<16xf32>,
        %add3A_158 = arith.constant 112 : i32
        %add3A_159 = vector.broadcast %add3A_158 : i32 to vector<16xi32>
        %add3A_160 = arith.addi %iota3A, %add3A_159 : vector<16xi32>
        %get3A_161 = arith.index_cast %scan3A_101 : i32 to index
        %get3A_162 = arith.constant 112 : index
        %get3A_163 = tpu.vector_load %arg13[%get3A_161, %get3A_162] {strides = array<i32>} : memref<32x256xf32, #tpu.memory_space<vmem>>, vector<16xf32>,
        %mul3A_164 = arith.mulf %get3A_163, %gather3A_109 : vector<16xf32>
        tpu.vector_store_idx %arg14[%gather3A, %add3A_160], %mul3A_164 {add = true} : memref<321x256xf32, #tpu.memory_space<vmem>>[vector<16xi32>, vector<16xi32>], vector<16xf32>,
        %add3A_165 = arith.constant 128 : i32
        %add3A_166 = vector.broadcast %add3A_165 : i32 to vector<16xi32>
        %add3A_167 = arith.addi %iota3A, %add3A_166 : vector<16xi32>
        %get3A_168 = arith.index_cast %scan3A_101 : i32 to index
        %get3A_169 = arith.constant 128 : index
        %get3A_170 = tpu.vector_load %arg13[%get3A_168, %get3A_169] {strides = array<i32>} : memref<32x256xf32, #tpu.memory_space<vmem>>, vector<16xf32>,
        %mul3A_171 = arith.mulf %get3A_170, %gather3A_109 : vector<16xf32>
        tpu.vector_store_idx %arg14[%gather3A, %add3A_167], %mul3A_171 {add = true} : memref<321x256xf32, #tpu.memory_space<vmem>>[vector<16xi32>, vector<16xi32>], vector<16xf32>,
        %add3A_172 = arith.constant 144 : i32
        %add3A_173 = vector.broadcast %add3A_172 : i32 to vector<16xi32>
        %add3A_174 = arith.addi %iota3A, %add3A_173 : vector<16xi32>
        %get3A_175 = arith.index_cast %scan3A_101 : i32 to index
        %get3A_176 = arith.constant 144 : index
        %get3A_177 = tpu.vector_load %arg13[%get3A_175, %get3A_176] {strides = array<i32>} : memref<32x256xf32, #tpu.memory_space<vmem>>, vector<16xf32>,
        %mul3A_178 = arith.mulf %get3A_177, %gather3A_109 : vector<16xf32>
        tpu.vector_store_idx %arg14[%gather3A, %add3A_174], %mul3A_178 {add = true} : memref<321x256xf32, #tpu.memory_space<vmem>>[vector<16xi32>, vector<16xi32>], vector<16xf32>,
        %add3A_179 = arith.constant 160 : i32
        %add3A_180 = vector.broadcast %add3A_179 : i32 to vector<16xi32>
        %add3A_181 = arith.addi %iota3A, %add3A_180 : vector<16xi32>
        %get3A_182 = arith.index_cast %scan3A_101 : i32 to index
        %get3A_183 = arith.constant 160 : index
        %get3A_184 = tpu.vector_load %arg13[%get3A_182, %get3A_183] {strides = array<i32>} : memref<32x256xf32, #tpu.memory_space<vmem>>, vector<16xf32>,
        %mul3A_185 = arith.mulf %get3A_184, %gather3A_109 : vector<16xf32>
        tpu.vector_store_idx %arg14[%gather3A, %add3A_181], %mul3A_185 {add = true} : memref<321x256xf32, #tpu.memory_space<vmem>>[vector<16xi32>, vector<16xi32>], vector<16xf32>,
        %add3A_186 = arith.constant 176 : i32
        %add3A_187 = vector.broadcast %add3A_186 : i32 to vector<16xi32>
        %add3A_188 = arith.addi %iota3A, %add3A_187 : vector<16xi32>
        %get3A_189 = arith.index_cast %scan3A_101 : i32 to index
        %get3A_190 = arith.constant 176 : index
        %get3A_191 = tpu.vector_load %arg13[%get3A_189, %get3A_190] {strides = array<i32>} : memref<32x256xf32, #tpu.memory_space<vmem>>, vector<16xf32>,
        %mul3A_192 = arith.mulf %get3A_191, %gather3A_109 : vector<16xf32>
        tpu.vector_store_idx %arg14[%gather3A, %add3A_188], %mul3A_192 {add = true} : memref<321x256xf32, #tpu.memory_space<vmem>>[vector<16xi32>, vector<16xi32>], vector<16xf32>,
        %add3A_193 = arith.constant 192 : i32
        %add3A_194 = vector.broadcast %add3A_193 : i32 to vector<16xi32>
        %add3A_195 = arith.addi %iota3A, %add3A_194 : vector<16xi32>
        %get3A_196 = arith.index_cast %scan3A_101 : i32 to index
        %get3A_197 = arith.constant 192 : index
        %get3A_198 = tpu.vector_load %arg13[%get3A_196, %get3A_197] {strides = array<i32>} : memref<32x256xf32, #tpu.memory_space<vmem>>, vector<16xf32>,
        %mul3A_199 = arith.mulf %get3A_198, %gather3A_109 : vector<16xf32>
        tpu.vector_store_idx %arg14[%gather3A, %add3A_195], %mul3A_199 {add = true} : memref<321x256xf32, #tpu.memory_space<vmem>>[vector<16xi32>, vector<16xi32>], vector<16xf32>,
        %add3A_200 = arith.constant 208 : i32
        %add3A_201 = vector.broadcast %add3A_200 : i32 to vector<16xi32>
        %add3A_202 = arith.addi %iota3A, %add3A_201 : vector<16xi32>
        %get3A_203 = arith.index_cast %scan3A_101 : i32 to index
        %get3A_204 = arith.constant 208 : index
        %get3A_205 = tpu.vector_load %arg13[%get3A_203, %get3A_204] {strides = array<i32>} : memref<32x256xf32, #tpu.memory_space<vmem>>, vector<16xf32>,
        %mul3A_206 = arith.mulf %get3A_205, %gather3A_109 : vector<16xf32>
        tpu.vector_store_idx %arg14[%gather3A, %add3A_202], %mul3A_206 {add = true} : memref<321x256xf32, #tpu.memory_space<vmem>>[vector<16xi32>, vector<16xi32>], vector<16xf32>,
        %add3A_207 = arith.constant 224 : i32
        %add3A_208 = vector.broadcast %add3A_207 : i32 to vector<16xi32>
        %add3A_209 = arith.addi %iota3A, %add3A_208 : vector<16xi32>
        %get3A_210 = arith.index_cast %scan3A_101 : i32 to index
        %get3A_211 = arith.constant 224 : index
        %get3A_212 = tpu.vector_load %arg13[%get3A_210, %get3A_211] {strides = array<i32>} : memref<32x256xf32, #tpu.memory_space<vmem>>, vector<16xf32>,
        %mul3A_213 = arith.mulf %get3A_212, %gather3A_109 : vector<16xf32>
        tpu.vector_store_idx %arg14[%gather3A, %add3A_209], %mul3A_213 {add = true} : memref<321x256xf32, #tpu.memory_space<vmem>>[vector<16xi32>, vector<16xi32>], vector<16xf32>,
        %add3A_214 = arith.constant 240 : i32
        %add3A_215 = vector.broadcast %add3A_214 : i32 to vector<16xi32>
        %add3A_216 = arith.addi %iota3A, %add3A_215 : vector<16xi32>
        %get3A_217 = arith.index_cast %scan3A_101 : i32 to index
        %get3A_218 = arith.constant 240 : index
        %get3A_219 = tpu.vector_load %arg13[%get3A_217, %get3A_218] {strides = array<i32>} : memref<32x256xf32, #tpu.memory_space<vmem>>, vector<16xf32>,
        %mul3A_220 = arith.mulf %get3A_219, %gather3A_109 : vector<16xf32>
        tpu.vector_store_idx %arg14[%gather3A, %add3A_216], %mul3A_220 {add = true} : memref<321x256xf32, #tpu.memory_space<vmem>>[vector<16xi32>, vector<16xi32>], vector<16xf32>,
        %scan3A_221 = arith.constant 0 : i32
        scf.yield %scan3A_221 : i32
      }
      %scan3A_99 = arith.constant 32 : i32
      %scan3A_100 = arith.constant 0 : i32
      scf.yield %scan3A_100 : i32
    }
    %scan3A_46 = arith.constant 86 : i32
    %eq3A = arith.constant 31 : i32
    %eq3A_47 = arith.cmpi eq, %add3A, %eq3A : i32
    %convert_element_type3A = arith.extui %eq3A_47 : i1 to i32
    %cond3A = arith.constant 0 : i32
    %cond3A_48 = arith.cmpi ne, %convert_element_type3A, %cond3A : i32
    scf.if %cond3A_48 {
      "tpu.region"() ({
        %run_scoped3A = tpu.sem_alloc : memref<!tpu.dma_semaphore, #tpu.memory_space<semaphore_mem>>
        %dma_start3A_49 = arith.constant 0 : i32
        %dma_start3A_50 = arith.constant 0 : i32
        %dma_start3A_51 = tpu.memref_slice %arg14[%dma_start3A_49, %dma_start3A_50] : memref<321x256xf32, #tpu.memory_space<vmem>> -> memref<80x256xf32, #tpu.memory_space<vmem>>
        %dma_start3A_52 = arith.constant 0 : i32
        %dma_start3A_53 = tpu.memref_slice %arg4[%mul3A_2, %dma_start3A_52] : memref<10000x256xf32, #tpu.memory_space<hbm>> -> memref<80x256xf32, #tpu.memory_space<hbm>>
        %dma_start3A_54 = arith.constant 0 : i32
        %dma_start3A_55 = tpu.memref_slice %arg4[%mul3A_2, %dma_start3A_54] : memref<10000x256xf32, #tpu.memory_space<hbm>> -> memref<80x256xf32, #tpu.memory_space<hbm>>
        %dma_start3A_56 = arith.constant 0 : i32
        %dma_start3A_57 = arith.constant 0 : i32
        %dma_start3A_58 = tpu.memref_slice %arg14[%dma_start3A_56, %dma_start3A_57] : memref<321x256xf32, #tpu.memory_space<vmem>> -> memref<80x256xf32, #tpu.memory_space<vmem>>
        tpu.enqueue_dma source(%dma_start3A_58 : memref<80x256xf32, #tpu.memory_space<vmem>>) target(%dma_start3A_55 : memref<80x256xf32, #tpu.memory_space<hbm>>) target_semaphore(%run_scoped3A : memref<!tpu.dma_semaphore, #tpu.memory_space<semaphore_mem>>)
        %dma_wait3A = arith.constant 0 : i32
        %dma_wait3A_59 = arith.constant 0 : i32
        %dma_wait3A_60 = tpu.memref_slice %arg14[%dma_wait3A, %dma_wait3A_59] : memref<321x256xf32, #tpu.memory_space<vmem>> -> memref<80x256xf32, #tpu.memory_space<vmem>>
        %dma_wait3A_61 = arith.constant 0 : i32
        %dma_wait3A_62 = tpu.memref_slice %arg4[%mul3A_2, %dma_wait3A_61] : memref<10000x256xf32, #tpu.memory_space<hbm>> -> memref<80x256xf32, #tpu.memory_space<hbm>>
        %dma_wait3A_63 = arith.constant 0 : i32
        %dma_wait3A_64 = tpu.memref_slice %arg4[%mul3A_2, %dma_wait3A_63] : memref<10000x256xf32, #tpu.memory_space<hbm>> -> memref<80x256xf32, #tpu.memory_space<hbm>>
        %dma_wait3A_65 = arith.constant 0 : i32
        %dma_wait3A_66 = arith.constant 0 : i32
        %dma_wait3A_67 = tpu.memref_slice %arg14[%dma_wait3A_65, %dma_wait3A_66] : memref<321x256xf32, #tpu.memory_space<vmem>> -> memref<80x256xf32, #tpu.memory_space<vmem>>
        tpu.wait_dma2 semaphore(%run_scoped3A : memref<!tpu.dma_semaphore, #tpu.memory_space<semaphore_mem>>) src(%dma_wait3A_67 : memref<80x256xf32, #tpu.memory_space<vmem>>) dst(%dma_wait3A_64 : memref<80x256xf32, #tpu.memory_space<hbm>>)
        tpu.yield
      }) : () -> ()
    } else {
      "tpu.region"() ({
        %run_scoped3A = tpu.sem_alloc : memref<!tpu.dma_semaphore, #tpu.memory_space<semaphore_mem>>
        %dma_start3A_49 = arith.constant 0 : i32
        %dma_start3A_50 = arith.constant 0 : i32
        %dma_start3A_51 = tpu.memref_slice %arg14[%dma_start3A_49, %dma_start3A_50] : memref<321x256xf32, #tpu.memory_space<vmem>> -> memref<320x256xf32, #tpu.memory_space<vmem>>
        %dma_start3A_52 = arith.constant 0 : i32
        %dma_start3A_53 = tpu.memref_slice %arg4[%mul3A_2, %dma_start3A_52] : memref<10000x256xf32, #tpu.memory_space<hbm>> -> memref<320x256xf32, #tpu.memory_space<hbm>>
        %dma_start3A_54 = arith.constant 0 : i32
        %dma_start3A_55 = tpu.memref_slice %arg4[%mul3A_2, %dma_start3A_54] : memref<10000x256xf32, #tpu.memory_space<hbm>> -> memref<320x256xf32, #tpu.memory_space<hbm>>
        %dma_start3A_56 = arith.constant 0 : i32
        %dma_start3A_57 = arith.constant 0 : i32
        %dma_start3A_58 = tpu.memref_slice %arg14[%dma_start3A_56, %dma_start3A_57] : memref<321x256xf32, #tpu.memory_space<vmem>> -> memref<320x256xf32, #tpu.memory_space<vmem>>
        tpu.enqueue_dma source(%dma_start3A_58 : memref<320x256xf32, #tpu.memory_space<vmem>>) target(%dma_start3A_55 : memref<320x256xf32, #tpu.memory_space<hbm>>) target_semaphore(%run_scoped3A : memref<!tpu.dma_semaphore, #tpu.memory_space<semaphore_mem>>)
        %dma_wait3A = arith.constant 0 : i32
        %dma_wait3A_59 = arith.constant 0 : i32
        %dma_wait3A_60 = tpu.memref_slice %arg14[%dma_wait3A, %dma_wait3A_59] : memref<321x256xf32, #tpu.memory_space<vmem>> -> memref<320x256xf32, #tpu.memory_space<vmem>>
        %dma_wait3A_61 = arith.constant 0 : i32
        %dma_wait3A_62 = tpu.memref_slice %arg4[%mul3A_2, %dma_wait3A_61] : memref<10000x256xf32, #tpu.memory_space<hbm>> -> memref<320x256xf32, #tpu.memory_space<hbm>>
        %dma_wait3A_63 = arith.constant 0 : i32
        %dma_wait3A_64 = tpu.memref_slice %arg4[%mul3A_2, %dma_wait3A_63] : memref<10000x256xf32, #tpu.memory_space<hbm>> -> memref<320x256xf32, #tpu.memory_space<hbm>>
        %dma_wait3A_65 = arith.constant 0 : i32
        %dma_wait3A_66 = arith.constant 0 : i32
        %dma_wait3A_67 = tpu.memref_slice %arg14[%dma_wait3A_65, %dma_wait3A_66] : memref<321x256xf32, #tpu.memory_space<vmem>> -> memref<320x256xf32, #tpu.memory_space<vmem>>
        tpu.wait_dma2 semaphore(%run_scoped3A : memref<!tpu.dma_semaphore, #tpu.memory_space<semaphore_mem>>) src(%dma_wait3A_67 : memref<320x256xf32, #tpu.memory_space<vmem>>) dst(%dma_wait3A_64 : memref<320x256xf32, #tpu.memory_space<hbm>>)
        tpu.yield
      }) : () -> ()
    }
    return
  }
}

module attributes {stable_mosaic.version = 14 : i64} {
  func.func @_mm_body(%arg0: i32, %arg1: memref<400x256xf32, #tpu.memory_space<vmem>>, %arg2: memref<256x256xf32, #tpu.memory_space<vmem>>, %arg3: memref<1x256xf32, #tpu.memory_space<vmem>>, %arg4: memref<400x256xf32, #tpu.memory_space<vmem>>) attributes {dimension_semantics = [#tpu.dimension_semantics<arbitrary>], iteration_bounds = array<i64: 25>, scalar_prefetch = 0 : i64, scratch_operands = 0 : i64, tpu.core_type = #tpu.core_type<tc>, window_params = [{transform_indices = @transform_0, window_bounds = array<i64: 400, 256>}, {pipeline_mode = #tpu.pipeline_mode<synchronous>, transform_indices = @transform_1, window_bounds = array<i64: 256, 256>}, {pipeline_mode = #tpu.pipeline_mode<synchronous>, transform_indices = @transform_2, window_bounds = array<i64: 1, 256>}, {transform_indices = @transform_3, window_bounds = array<i64: 400, 256>}]} {
    %get3A = arith.constant 0 : index
    %get3A_0 = arith.constant 0 : index
    %get3A_1 = vector.load %arg1[%get3A, %get3A_0] : memref<400x256xf32, #tpu.memory_space<vmem>>, vector<400x256xf32>
    %get3A_2 = arith.constant 0 : index
    %get3A_3 = arith.constant 0 : index
    %get3A_4 = vector.load %arg2[%get3A_2, %get3A_3] : memref<256x256xf32, #tpu.memory_space<vmem>>, vector<256x256xf32>
    %dot_general3A = arith.constant dense<0.000000e+00> : vector<400x256xf32>
    %dot_general3A_5 = tpu.matmul %get3A_1, %get3A_4, %dot_general3A {dimension_numbers = #tpu.dot_dimension_numbers<[1], [0], [0], [1], [0, 0, 1, 1], [], []>, transpose_lhs_hint = false} : vector<400x256xf32>, vector<256x256xf32>, vector<400x256xf32> -> vector<400x256xf32>
    %get3A_6 = arith.constant 0 : index
    %get3A_7 = arith.constant 0 : index
    %get3A_8 = vector.load %arg3[%get3A_6, %get3A_7] : memref<1x256xf32, #tpu.memory_space<vmem>>, vector<1x256xf32>
    %add3A = vector.broadcast %get3A_8 : vector<1x256xf32> to vector<400x256xf32>
    %add3A_9 = arith.addf %dot_general3A_5, %add3A : vector<400x256xf32>
    %swap3A = arith.constant 0 : index
    %swap3A_10 = arith.constant 0 : index
    %swap3A_11 = vector.load %arg4[%swap3A, %swap3A_10] : memref<400x256xf32, #tpu.memory_space<vmem>>, vector<400x256xf32>
    tpu.vector_store %arg4[%swap3A, %swap3A_10], %add3A_9 {strides = array<i32>} : memref<400x256xf32, #tpu.memory_space<vmem>>, vector<400x256xf32>,
    return
  }
  func.func @transform_0(%arg0: i32) -> (i32, i32) {
    %c0_i32 = arith.constant 0 : i32
    %c0_i32_0 = arith.constant 0 : i32
    return %arg0, %c0_i32 : i32, i32
  }
  func.func @transform_1(%arg0: i32) -> (i32, i32) {
    %c0_i32 = arith.constant 0 : i32
    %c0_i32_0 = arith.constant 0 : i32
    %c0_i32_1 = arith.constant 0 : i32
    return %c0_i32, %c0_i32_0 : i32, i32
  }
  func.func @transform_2(%arg0: i32) -> (i32, i32) {
    %c0_i32 = arith.constant 0 : i32
    %c0_i32_0 = arith.constant 0 : i32
    %c0_i32_1 = arith.constant 0 : i32
    return %c0_i32, %c0_i32_0 : i32, i32
  }
  func.func @transform_3(%arg0: i32) -> (i32, i32) {
    %c0_i32 = arith.constant 0 : i32
    %c0_i32_0 = arith.constant 0 : i32
    return %arg0, %c0_i32 : i32, i32
  }
}

</mosaic_0001>

<sc_bundles>
// kernel: kernel.4.cloned.1.call-start
scs
__scs_entry_jumppad:
0x0: {  	(pc) =	sbr.rel $0x88, $3  }
0x1: {  	(tag) =	ssettag $0x0;
	lr =	simm.s32 $0x1  }
0x2: {  	[smem:$0x3F9C] =	sst lr;
	_ =	strace $0xD0000000  }
0x3: {  	_ = 	snop  }
0x4: {  	_ = 	snop  }
0x5: {  	_ = 	snop  }
0x6: {  	_ = 	snop  }
0x7: {  	_ = 	snop  }
__scs_overlays_trampoline_lowered:
0x8: {  	[smem:$0x3FAB] =	sst s0  }
0x9: {  	[smem:$0x3FAC] =	sst s1  }
0xa: {  	[smem:$0x3FAD] =	sst s2  }
0xb: {  	[smem:$0x3FAE] =	sst s3  }
0xc: {  	[smem:$0x3FAF] =	sst s4  }
0xd: {  	[smem:$0x3FB0] =	sst s5  }
0xe: {  	[smem:$0x3FB1] =	sst s6  }
0xf: {  	[smem:$0x3FB2] =	sst s7  }
0x10: {  	[smem:$0x3FB3] =	sst s8  }
0x11: {  	[smem:$0x3FB4] =	sst s9;
	s0 =	simm.s32 @!p0 $0x0  }
0x12: {  	s1 =	sld [smem:$0x3F9A];
	s0 =	simm.s32 @p0 $0x1  }
0x13: {  	[smem:$0x3FB5] =	sst s0;
	s0 =	simm.s32 @!p1 $0x0  }
0x14: {  	s2 =	sld [smem:$0x3F99];
	s0 =	simm.s32 @p1 $0x1  }
0x15: {  	[smem:$0x3FB6] =	sst s0;
	s0 =	simm.s32 @!p2 $0x0  }
0x16: {  	s3 =	sld [smem:$0x3FDB];
	s0 =	simm.s32 @p2 $0x1  }
0x17: {  	s4 =	simm.s32 $0x1BF5;
	[smem:$0x3FB8] =	sst s0  }
0x18: {  	s0 =	sld [smem:$0x3F9B];
	_ =	swait.ge [sflag:s4], $0x0  }
0x19: {  	s7 =	sld [smem:$0x3F9C]  }
0x1a: {  	s8 =	sadd.s32 $0xFFFFE003, lr  }
0x1b: {  	s9 =	sadd.s32 $0xFFFFFEF7, lr;
	s5 =	simm.s32 $0xFFFFFFFF;
	p2 =	slt.u32 s8, $0xFFFFF086  }
0x1c: {  	p1 =	slt.u32 s9, $0xF7A;
	s5 =	simm.s32 @!p2 $0x0  }
0x1d: {  	s5 =	simm.s32 @p1 $0x1;
	p0 =	seq.s32 s7, s2  }
0x1e: {  	s7 =	smul.u32 @!p0 $0xF7A, s2;
	p2 =	seq.s32 @!p0 s5, $0x0  }
0x1f: {  	s9 =	smul.u32 $0xF7A, s1;
	s8 =	simm.s32 @!p0 $0x1BF5;
	p2 =	por !p2, p0  }
0x20: {  	[sflag:s8] =	ssyncset.s32 @!p0 $0xFFFFF086;
	s6 =	sadd.s32 @!p0 s3, s7;
	s7 =	simm.s32 @!p0 $0x108  }
0x21: {  	s3 =	sadd.s32 s3, s9;
	s6 =	sadd.s32 @!p0 $0x88, s6;
	s7 =	simm.s32 @p2 $0x1082  }
0x22: {  	[simem:s7], [sflag:s8] =	dma.local @!p0 [hbm:s6], $0xF7A  }
0x23: {  	s9 =	sor.u32 $0xD0000000, s2;
	s6 =	simm.s32 $0x108;
	_ =	swait.ge @!p0 [sflag:s8], $0x0  }
0x24: {  	s3 =	sadd.s32 $0x88, s3;
	s6 =	simm.s32 @!p1 $0x1082;
	[sflag:s4] =	ssyncset.s32 $0xFFFFF086  }
0x25: {  	[simem:s6], [sflag:s4] =	dma.local [hbm:s3], $0xF7A  }
0x26: {  	[smem:$0x3F9C] =	sst s1;
	(tag) =	ssettag s2;
	_ =	strace s9  }
0x27: {  	s1 =	sld [smem:$0x3FAC]  }
0x28: {  	s2 =	sld [smem:$0x3FAD]  }
0x29: {  	s4 =	sld [smem:$0x3FAF]  }
0x2a: {  	p0 =	seq.s32 s5, $0x0;
	s5 =	sld [smem:$0x3FB0]  }
0x2b: {  	s6 =	sld [smem:$0x3FB1]  }
0x2c: {  	s7 =	sld [smem:$0x3FB2]  }
0x2d: {  	s3 =	simm.s32 $0x108;
	s8 =	sld [smem:$0x3FB3]  }
0x2e: {  	s3 =	simm.s32 @!p0 $0x1082;
	s9 =	sld [smem:$0x3FB4]  }
0x2f: {  	lr =	sadd.s32 s0, s3;
	s0 =	sld [smem:$0x3FAB]  }
0x30: {  	s3 =	sld [smem:$0x3FAE]  }
0x31: {  	[smem:$0x3FB7] =	sst s10  }
0x32: {  	s10 =	sld [smem:$0x3FB5];
	_ =	sdelay $0x3  }
0x33: {  	p0 =	seq.s32 s10, $0x1;
	s10 =	sld [smem:$0x3FB7];
	_ =	sdelay $0x3  }
0x34: {  	[smem:$0x3FB7] =	sst s10  }
0x35: {  	s10 =	sld [smem:$0x3FB6];
	_ =	sdelay $0x3  }
0x36: {  	p1 =	seq.s32 s10, $0x1;
	s10 =	sld [smem:$0x3FB7];
	_ =	sdelay $0x3  }
0x37: {  	[smem:$0x3FB7] =	sst s10  }
0x38: {  	s10 =	sld [smem:$0x3FB8]  }
0x39: {  	_ = 	snop;
	(pc) =	sbr.ind lr, $3  }
0x3a: {  	_ = 	snop  }
0x3b: {  	_ = 	snop  }
0x3c: {  	p2 =	seq.s32 s10, $0x1;
	s10 =	sld [smem:$0x3FB7]  }
0x3d: {  	_ =	shalt  }
0x3e: {  	_ =	shalt  }
0x3f: {  	_ =	shalt  }
0x40: {  	_ =	shalt  }
0x41: {  	_ =	shalt  }
0x42: {  	_ =	shalt  }
0x43: {  	_ =	shalt  }
0x44: {  	_ =	shalt  }
0x45: {  	_ =	shalt  }
0x46: {  	_ =	shalt  }
0x47: {  	_ =	shalt  }
0x48: {  	_ =	shalt  }
0x49: {  	_ =	shalt  }
0x4a: {  	_ =	shalt  }
0x4b: {  	_ =	shalt  }
0x4c: {  	_ =	shalt  }
0x4d: {  	_ =	shalt  }
0x4e: {  	_ =	shalt  }
0x4f: {  	_ =	shalt  }
0x50: {  	_ =	shalt  }
0x51: {  	_ =	shalt  }
0x52: {  	_ =	shalt  }
0x53: {  	_ =	shalt  }
0x54: {  	_ =	shalt  }
0x55: {  	_ =	shalt  }
0x56: {  	_ =	shalt  }
0x57: {  	_ =	shalt  }
0x58: {  	_ =	shalt  }
0x59: {  	_ =	shalt  }
0x5a: {  	_ =	shalt  }
0x5b: {  	_ =	shalt  }
0x5c: {  	_ =	shalt  }
0x5d: {  	_ =	shalt  }
0x5e: {  	_ =	shalt  }
0x5f: {  	_ =	shalt  }
0x60: {  	_ =	shalt  }
0x61: {  	_ =	shalt  }
0x62: {  	_ =	shalt  }
0x63: {  	_ =	shalt  }
0x64: {  	_ =	shalt  }
0x65: {  	_ =	shalt  }
0x66: {  	_ =	shalt  }
0x67: {  	_ =	shalt  }
0x68: {  	_ =	shalt  }
0x69: {  	_ =	shalt  }
0x6a: {  	_ =	shalt  }
0x6b: {  	_ =	shalt  }
0x6c: {  	_ =	shalt  }
0x6d: {  	_ =	shalt  }
0x6e: {  	_ =	shalt  }
0x6f: {  	_ =	shalt  }
0x70: {  	_ =	shalt  }
0x71: {  	_ =	shalt  }
0x72: {  	_ =	shalt  }
0x73: {  	_ =	shalt  }
0x74: {  	_ =	shalt  }
0x75: {  	_ =	shalt  }
0x76: {  	_ =	shalt  }
0x77: {  	_ =	shalt  }
0x78: {  	_ =	shalt  }
0x79: {  	_ =	shalt  }
0x7a: {  	_ =	shalt  }
0x7b: {  	_ =	shalt  }
0x7c: {  	_ =	shalt  }
0x7d: {  	_ =	shalt  }
0x7e: {  	_ =	shalt  }
0x7f: {  	_ =	shalt  }
0x80: {  	_ =	shalt  }
0x81: {  	_ =	shalt  }
0x82: {  	_ =	shalt  }
0x83: {  	_ =	shalt  }
0x84: {  	_ =	shalt  }
0x85: {  	_ =	shalt  }
0x86: {  	_ =	shalt  }
0x87: {  	_ =	shalt  }
.Lfunc_end0:
.L_simem_size_0:
called_computation_lowered:
.L_overlay_start_0:
0x88: {  	s2 =	sld [smem:$0x3FD9]  }
0x89: {  	s3 =	sld [smem:$0x3FFE];
	_ =	sdelay $0x1  }
0x8a: {  	s1 =	srdreg.scid  }
0x8b: {  	s0 =	sand.u32 $0x1, s1  }
0x8c: {  	s17 =	sshll.u32 s0, $0xA;
	s2 =	sadd.s32 s3, s2  }
0x8d: {  	s2 =	sadd.s32 s2, s17  }
0x8e: {  	[smem:$0x3FC3] =	sst s2  }
0x8f: {  	_ = 	snop  }
0x90: {  	s2 =	sld [smem:$0x3FC9]  }
0x91: {  	s18 =	sld [smem:$0x3FD0];
	(tm) =	ssettm $0x1  }
0x92: {  	s4 =	sld [smem:$0x3FFB];
	_ =	sdelay $0x3  }
0x93: {  	_ =	strace s4  }
0x94: {  	s4 =	sld [smem:$0x3FFC];
	_ =	sdelay $0x3  }
0x95: {  	_ =	strace s4  }
0x96: {  	s4 =	sld [smem:$0x3FFD];
	_ =	sdelay $0x3  }
0x97: {  	_ =	strace s4  }
0x98: {  	_ =	strace $0x8FFFFFFF  }
0x99: {  	s19 =	sld [smem:$0x3FDB];
	_ =	sdelay $0x1  }
0x9a: {  	s5 =	simm.s32 $_scs_section_size  }
0x9b: {  	s6 =	simm.s32 $_size__tile_overlayer_lowered;
	s7 =	simm.s32 $_tile_overlayer_lowered  }
0x9c: {  	s22 =	simm.s32 $0x1BFF;
	s21 =	sshll.u32 s7, $0x1;
	s4 =	sadd.s32 s5, s19  }
0x9d: {  	s8 =	simm.s32 $0x0;
	s20 =	sshll.u32 s6, $0x1;
	s6 =	sadd.s32 s21, s4  }
0x9e: {  	[timem:s8], [sflag:s22] =	dma.local [hbm:s6], s20  }
0x9f: {  	_ =	swait.ge [sflag:s22], s20  }
0xa0: {  	s5 =	ssub.s32 $0x0, s20;
	[sflag:s22] =	ssyncset.done $0x0  }
0xa1: {  	[sflag:s22] =	ssyncadd.s32 s5;
	_ =	sdelay $0x1  }
0xa2: {  	s23 =	simm.s32 $0x1B8B  }
0xa3: {  	_ =	swait.ge [sflag:s23], $0x1  }
0xa4: {  	[sflag:s23] =	ssyncset.done $0x0  }
0xa5: {  	s25 =	simm.s32 $0x1B8E;
	s24 =	sld [smem:$0x3FFE];
	[sflag:s23] =	ssyncadd.s32 $0xFFFFFFFF  }
0xa6: {  	s26 =	simm.s32 $execute0_lowered;
	[smem:$0x3FD2] =	sst s25  }
0xa7: {  	s6 =	sshll.u32 s26, $0x1;
	_ =	strace $0x80000046;
	[dreg:$0x1] =	wrdreg $0xFFFFFFFF  }
0xa8: {  	s28 =	simm.s32 $_size_execute0_lowered;
	s4 =	sadd.s32 s4, s6;
	[dreg:$0x0] =	wrdreg $0x0  }
0xa9: {  	s6 =	sshll.u32 s28, $0x1;
	[dreg:$0x2] =	wrdreg s4  }
0xaa: {  	[dreg:$0x3] =	wrdreg s6  }
0xab: {  	[dreg:$0x4] =	wrdreg $0xC0  }
0xac: {  	_ =	task [dreg:s8], $0x5FFFF  }
0xad: {  	[dreg:$0x1] =	wrdreg $0xFFFFFFFF  }
0xae: {  	[dreg:$0x0] =	wrdreg $0x60  }
0xaf: {  	[dreg:$0x2] =	wrdreg s2  }
0xb0: {  	[dreg:$0x3] =	wrdreg s24  }
0xb1: {  	[dreg:$0x4] =	wrdreg s18  }
0xb2: {  	[dreg:$0x5] =	wrdreg $0x9  }
0xb3: {  	_ =	task.clear_ibuf [dreg:s8], $0x6FFFF;
	_ =	strace $0x90000046  }
0xb4: {  	s29 =	simm.s32 $0x9;
	_ =	strace $0x80000048  }
0xb5: {  	_ =	swait.ge [sflag:s29], $0x1  }
0xb6: {  	[sflag:s29] =	ssyncadd.s32 $0xFFFFFFFF  }
0xb7: {  	_ =	strace $0x90000048  }
0xb8: {  	_ =	sfence  }
0xb9: {  	s30 =	sld [smem:$0x0];
	_ =	sdelay $0x2  }
0xba: {  	s31 =	sshll.u32 s1, $0xD;
	s1 =	sshrl.u32 s1, $0x2  }
0xbb: {  	s3 =	sand.u32 $0x4000, s31;
	s1 =	sadd.s32 s1, s30  }
0xbc: {  	s0 =	sor.u32 s3, s0;
	s1 =	sshll.u32 s1, $0x11  }
0xbd: {  	s0 =	sor.u32 s1, s0  }
0xbe: {  	s0 =	sadd.s32 $0x8F2B, s0  }
0xbf: {  	[sflag:s0] =	ssyncadd.remote.s32 $0x1  }
0xc0: {  	_ =	sfence.sel $0xFFFF  }
0xc1: {  	[dreg:$0x0] =	wrdreg $0xFFFFFFFF;
	(pc) =	sbr.abs _section_cstart, $3  }
0xc2: {  	[dreg:$0x1] =	wrdreg $0xFFFFFFFF  }
0xc3: {  	_ =	task.clear_ibuf [dreg:s8], $0x2FFFF;
	_ =	strace $0x9FFFFFFF  }
0xc4: {  	(tm) =	ssettm $0x7FFFFFFF  }
0xc5: {  	_ =	shalt  }
tec
execute0_lowered:
.L_overlay_start_1:
0x0: {  	(tag) =	ssettag $0x1  }
0x1: {  	s1 =	rddreg [dreg:$0x0]  }
0x2: {  	s0 =	rddreg [dreg:$0x1]  }
0x3: {  	s2 =	rddreg [dreg:$0x2]  }
0x4: {  	s4 =	srdreg.scid;
	s3 =	stileid.u32  }
0x5: {  	s6 =	simm.s32 $0x0;
	s9 =	simm.s32 $0x1A00;
	s10 =	simm.s32 $0x3  }
0x6: {  	s12 =	simm.s32 $0x7600;
	s13 =	simm.s32 $0x3400;
	s14 =	simm.s32 $0x4A00  }
0x7: {  	s15 =	simm.s32 $0x6000;
	s16 =	simm.s32 $0x4;
	s21 =	simm.s32 $0x9700  }
0x8: {  	s22 =	simm.s32 $0x9F00;
	s23 =	simm.s32 $0xA700;
	s24 =	simm.s32 $0xAF00  }
0x9: {  	s25 =	simm.s32 $0xB700;
	s4 =	sand.u32 $0x1, s4;
	s5 =	sshll.u32 s3, $0x1  }
0xa: {  	v1 =	vimm.f32 $0.0e+00;
	s28 =	simm.s32 $0x0;
	[smem:$0x7FF] =	sst s6;
	s17 =	sor.u32 s4, s5  }
0xb: {  	v2 =	vlaneseq.u32;
	v3 =	vimm.s32 $0x140;
	v4 =	vimm.s32 $0x0;
	s26 =	ssub.s32 $0x2, s4;
	_ =	strace $0x80000047;
	s7 =	smul.u32 $0x2800, s17  }
0xc: {  	v5 =	vimm.s32 $0xF;
	v6 =	vimm.s32 $0x1F;
	v7 =	vimm.s32 $0x2F;
	s4 =	sadd.s32 $0xC00, s0;
	s29 =	sshrl.u32 s26, $0x1;
	s11 =	smul.u32 $0x140, s17  }
0xd: {  	v8 =	vimm.s32 $0x3F;
	vm0 =	vmmov $0xffff;
	v9 =	vor.u32 $0x1580, v2;
	s5 =	smul.u32 $0x12C, s17;
	p0 =	sne.s32 s17, $0x1F;
	s30 =	ssub.s32 s26, s29  }
0xe: {  	v10 =	vor.u32 $0x1590, v2;
	v11 =	vand.u32 $0x7, v2;
	v12 =	vshrl.u32 v2, $0x3;
	s26 =	simm.s32 $0x2;
	s31 =	sadd.s32 s2, s7;
	s7 =	sadd.s32 $0x4D800, s2  }
0xf: {  	v13 =	vor.u32 $0x8, v2;
	v12 =	vmul.u32 $0x8, v12;
	s8 =	smax.u32 s30, $0x1;
	v0 =	vmov s11;
	s11 =	simm.s32 $0x1;
	[dreg:$0x4] =	wrdreg s31  }
.LBB2_1:
0x10: {  	s2 =	simm.s32 $0x0  }
0x11: {  	s0 =	sand.u32 $0x1F800, s2;
	s2 =	sand.u32 $0x380, s2  }
0x12: {  	s0 =	sor.u32 s2, s0  }
0x13: {  	[tilespmem:s0+$0xBB70] =	vst v1  }
0x14: {  	[tilespmem:s0+$0xB700] =	vst v1  }
0x15: {  	[tilespmem:s0+$0xB710] =	vst v1  }
0x16: {  	[tilespmem:s0+$0xB720] =	vst v1  }
0x17: {  	[tilespmem:s0+$0xB730] =	vst v1  }
0x18: {  	[tilespmem:s0+$0xB740] =	vst v1  }
0x19: {  	[tilespmem:s0+$0xB750] =	vst v1  }
0x1a: {  	[tilespmem:s0+$0xB760] =	vst v1  }
0x1b: {  	[tilespmem:s0+$0xB770] =	vst v1  }
0x1c: {  	[tilespmem:s0+$0xBB00] =	vst v1  }
0x1d: {  	[tilespmem:s0+$0xBB10] =	vst v1  }
0x1e: {  	[tilespmem:s0+$0xBB20] =	vst v1  }
0x1f: {  	[tilespmem:s0+$0xBB30] =	vst v1  }
0x20: {  	s17 =	simm.s32 $0x100;
	s2 =	simm.s32 $0x80;
	[tilespmem:s0+$0xBB40] =	vst v1  }
0x21: {  	s18 =	sand.u32 $0x1F800, s17;
	s17 =	simm.s32 $0x200;
	s19 =	sand.u32 $0x380, s2;
	[tilespmem:s0+$0xBB50] =	vst v1  }
.LBB2_2:
0x22: {  	p1 =	sne.s32 s17, $0x14000;
	[tilespmem:s0+$0xBB60] =	vst v1;
	s0 =	sor.u32 s19, s18  }
0x23: {  	[tilespmem:s0+$0xBB70] =	vst v1  }
0x24: {  	[tilespmem:s0+$0xB700] =	vst v1  }
0x25: {  	[tilespmem:s0+$0xB710] =	vst v1  }
0x26: {  	[tilespmem:s0+$0xB720] =	vst v1  }
0x27: {  	[tilespmem:s0+$0xB730] =	vst v1  }
0x28: {  	[tilespmem:s0+$0xB740] =	vst v1  }
0x29: {  	[tilespmem:s0+$0xB750] =	vst v1  }
0x2a: {  	[tilespmem:s0+$0xB760] =	vst v1  }
0x2b: {  	[tilespmem:s0+$0xB770] =	vst v1  }
0x2c: {  	[tilespmem:s0+$0xBB00] =	vst v1  }
.Ltmp0:
0x2d: {  	[tilespmem:s0+$0xBB10] =	vst v1;
	(pc) =	sbr.rel @p1 .LBB2_2-.Ltmp0, $4  }
0x2e: {  	[tilespmem:s0+$0xBB20] =	vst v1  }
0x2f: {  	[tilespmem:s0+$0xBB30] =	vst v1  }
0x30: {  	s2 =	sadd.s32 $0x80, s2;
	[tilespmem:s0+$0xBB40] =	vst v1  }
0x31: {  	s18 =	sand.u32 $0x1F800, s17;
	s17 =	sadd.s32 $0x100, s17;
	s19 =	sand.u32 $0x380, s2;
	[tilespmem:s0+$0xBB50] =	vst v1  }
0x32: {  	s2 =	sor.u32 s19, s18;
	[tilespmem:s0+$0xBB60] =	vst v1  }
0x33: {  	[tilespmem:s2+$0xBB70] =	vst v1  }
0x34: {  	[tilespmem:s2+$0xB700] =	vst v1  }
0x35: {  	[tilespmem:s2+$0xB710] =	vst v1  }
0x36: {  	[tilespmem:s2+$0xB720] =	vst v1  }
0x37: {  	[tilespmem:s2+$0xB730] =	vst v1  }
0x38: {  	[tilespmem:s2+$0xB740] =	vst v1  }
0x39: {  	[tilespmem:s2+$0xB750] =	vst v1  }
0x3a: {  	[tilespmem:s2+$0xB760] =	vst v1  }
0x3b: {  	s30 =	sadd.s32 $0x0, s5;
	[tilespmem:s2+$0xB770] =	vst v1  }
0x3c: {  	[tilespmem:s2+$0xBB00] =	vst v1;
	v15 =	vadd.s32 s30, v2  }
0x3d: {  	[tilespmem:s2+$0xBB10] =	vst v1;
	v14 =	vmulhi.u32 $0xD1B71759, v15  }
0x3e: {  	[tilespmem:s2+$0xBB20] =	vst v1  }
0x3f: {  	[tilespmem:s2+$0xBB30] =	vst v1;
	v14 =	vshrl.u32 v14, $0xD  }
0x40: {  	s31 =	sadd.s32 $0x10, s5;
	[tilespmem:s2+$0xBB40] =	vst v1;
	v16 =	vmul.u32 $0x2710, v14  }
0x41: {  	[tilespmem:s2+$0xBB50] =	vst v1;
	v14 =	vadd.s32 s31, v2  }
0x42: {  	s0 =	simm.s32 $0x3400;
	[tilespmem:s2+$0xBB60] =	vst v1;
	v15 =	vsub.s32 v15, v16;
	v16 =	vmulhi.u32 $0xD1B71759, v14  }
0x43: {  	s2 =	simm.s32 $0x4A00;
	[tilespmem:s0+$0x0] =	vst v15  }
0x44: {  	s17 =	simm.s32 $0x6000;
	[tilespmem:s2+$0x0] =	vst v3;
	v15 =	vshrl.u32 v16, $0xD  }
0x45: {  	s18 =	simm.s32 $0x20;
	[tilespmem:s17+$0x0] =	vst v1;
	v15 =	vmul.u32 $0x2710, v15  }
.LBB2_4:
0x46: {  	s19 =	sadd.s32 s5, s18;
	p1 =	sne.s32 s18, $0x1590  }
.Ltmp1:
0x47: {  	s0 =	sadd.s32 $0x10, s0;
	v15 =	vsub.s32 v14, v15;
	v14 =	vadd.s32 s19, v2;
	(pc) =	sbr.rel @p1 .LBB2_4-.Ltmp1, $4  }
0x48: {  	s18 =	sadd.s32 $0x10, s18;
	s2 =	sadd.s32 $0x10, s2;
	v16 =	vmulhi.u32 $0xD1B71759, v14;
	[tilespmem:s0+$0x0] =	vst v15  }
0x49: {  	s17 =	sadd.s32 $0x10, s17;
	[tilespmem:s2+$0x0] =	vst v3  }
0x4a: {  	v15 =	vshrl.u32 v16, $0xD;
	[tilespmem:s17+$0x0] =	vst v1  }
0x4b: {  	v15 =	vmul.u32 $0x2710, v15  }
0x4c: {  	_ = 	snop  }
0x4d: {  	s0 =	sadd.s32 $0x10, s0;
	v14 =	vsub.s32 v14, v15  }
0x4e: {  	s30 =	sadd.s32 $0x10, s2;
	[tilespmem:s0+$0x0] =	vst v14  }
0x4f: {  	s31 =	sadd.s32 $0x10, s17;
	[tilespmem:s30+$0x0] =	vst v3  }
0x50: {  	[tilespmem:s31+$0x0] =	vst v1  }
0x51: {  	s29 =	simm.s32 $0x0;
	s0 =	simm.s32 $0x0;
	[tilespmem:$0x7680] =	vst v4  }
0x52: {  	[tilespmem:s0], [sflag:$0x3] =	stream.linear.gather [hbm4b:s4+s0], $0x1A00, $0x38;
	[tilespmem:$0x1FF00] =	vst v63  }
.LBB2_6:
0x53: {  	s2 =	smul.u32 $0x3400, s29;
	_ =	sdelay $0x1  }
0x54: {  	s17 =	sshrl.u32 s2, $0x3  }
0x55: {  	s17 =	sadd.s32 s4, s17  }
0x56: {  	s17 =	sadd.s32 $0x340, s17  }
0x57: {  	[tilespmem:s9], [sflag:$0x4] =	stream.linear.gather [hbm4b:s17+s0], $0x1A00, $0x38;
	[tilespmem:$0x1FF00] =	vst v63  }
0x58: {  	_ =	swait.ge [sflag:s10], $0x1A00  }
0x59: {  	s19 =	sand.u32 $0x40, s0;
	s18 =	sand.u32 $0x1E00, s0;
	[sflag:s10] =	ssyncset.done $0x0  }
0x5a: {  	s17 =	sor.u32 s19, s18;
	[sflag:s10] =	ssyncadd.s32 $0xFFFFE600  }
0x5b: {  	v14 =	vld [tilespmem:s17+$0x0]  }
0x5c: {  	v15 =	vld [tilespmem:s17+$0x20]  }
0x5d: {  	v16 =	vld [tilespmem:s17+$0x10]  }
0x5e: {  	v17 =	vld [tilespmem:s17+$0x30];
	_ =	sdelay $0x1  }
0x5f: {  	v14 =	vsub.s32 v14, v0  }
0x60: {  	v15 =	vsub.s32 v15, v0;
	vm4 =	vlt.u32 v14, $0x140  }
0x61: {  	v16 =	vsub.s32 v16, v0;
	vm2 =	vlt.u32 v15, $0x140;
	v18 =	vsel vm4, $0x1, v4  }
0x62: {  	v17 =	vsub.s32 v17, v0;
	vm3 =	vlt.u32 v16, $0x140;
	(xrf0) =	vadd.scan.msk.s32 $0xffff, v18;
	v18 =	vsel vm2, $0x1, v4  }
0x63: {  	vm1 =	vlt.u32 v17, $0x140;
	v19 =	vsel vm3, $0x1, v4;
	(xrf0) =	vadd.scan.msk.s32 $0xffff, v18  }
0x64: {  	v20 =	vsel vm1, $0x1, v4;
	v18 =	vld [tilespmem:$0x7680];
	(xrf0) =	vadd.scan.msk.s32 $0xffff, v19  }
0x65: {  	(xrf0) =	vadd.scan.msk.s32 $0xffff, v20;
	_ =	sdelay $0x2  }
0x66: {  	v19, _, _ =	vpop (xrf0)  }
0x67: {  	v63 =	vadd.s32 v19, v18;
	[tilespmem:$0x7600] =	vst v19;
	v19, _, _ =	vpop (xrf0)  }
0x68: {  	v20 =	vadd.s32 $0xFFFFFFFF, v63;
	[tilespmem:$0x7620] =	vst v19;
	v21, _, _ =	vpop (xrf0)  }
0x69: {  	vm5 =	vlt.s32 v20, v9;
	[tilespmem:$0x7610] =	vst v21;
	v22, _, _ =	vpop (xrf0)  }
0x6a: {  	v20 =	vsel vm5, v20, v9;
	[tilespmem:$0x7630] =	vst v22  }
0x6b: {  	v20 =	vsel vm4, v20, v10;
	v23 =	vld [tilespmem:s17+$0x80];
	_ =	sdelay $0x1  }
0x6c: {  	p1 =	por $0x0, $0x0;
	s18 =	simm.s32 $0x1;
	v24 =	vld.idx.msk [tilespmem:v5+s12+$0x0], $0xffff  }
0x6d: {  	s18 =	simm.s32 @!p1 $0x0;
	v25 =	vld.idx.msk [tilespmem:v7+s12+$0x0], $0xffff  }
0x6e: {  	s18 =	sshll.u32 s18, $0x6;
	v26 =	vld.idx.msk [tilespmem:v6+s12+$0x0], $0xffff  }
0x6f: {  	s18 =	sadd.s32 $0x0, s18;
	v27 =	vld.idx.msk [tilespmem:v8+s12+$0x0], $0xffff;
	[tilespmem:v20+s13+$0x0] =	vst.idx.msk $0xffff, v23  }
0x70: {  	s19 =	sor.u32 $0x100, s18;
	[tilespmem:v20+s14+$0x0] =	vst.idx.msk $0xffff, v14  }
0x71: {  	v14 =	vld [tilespmem:s19+$0x0]  }
0x72: {  	v18 =	vadd.s32 v18, v24  }
0x73: {  	v21 =	vadd.s32 v18, v21  }
0x74: {  	v21 =	vadd.s32 $0xFFFFFFFF, v21  }
0x75: {  	vm15 =	vlt.s32 v21, v9  }
0x76: {  	v21 =	vsel vm15, v21, v9;
	[tilespmem:v20+s15+$0x0] =	vst.idx.msk $0xffff, v14  }
0x77: {  	v14 =	vsel vm3, v21, v10;
	v20 =	vld [tilespmem:s17+$0x90];
	_ =	sdelay $0x4  }
0x78: {  	s20 =	sadd.s32 $0x10, s18;
	[tilespmem:v14+s13+$0x0] =	vst.idx.msk $0xffff, v20  }
0x79: {  	s19 =	sor.u32 $0x100, s20;
	[tilespmem:v14+s14+$0x0] =	vst.idx.msk $0xffff, v16  }
0x7a: {  	v16 =	vld [tilespmem:s19+$0x0]  }
0x7b: {  	v18 =	vadd.s32 v26, v18  }
0x7c: {  	v19 =	vadd.s32 v18, v19  }
0x7d: {  	v19 =	vadd.s32 $0xFFFFFFFF, v19  }
0x7e: {  	vm3 =	vlt.s32 v19, v9  }
0x7f: {  	v19 =	vsel vm3, v19, v9;
	[tilespmem:v14+s15+$0x0] =	vst.idx.msk $0xffff, v16  }
0x80: {  	v14 =	vsel vm2, v19, v10;
	v16 =	vld [tilespmem:s17+$0xA0];
	_ =	sdelay $0x4  }
0x81: {  	s30 =	sadd.s32 $0x20, s18;
	[tilespmem:v14+s13+$0x0] =	vst.idx.msk $0xffff, v16  }
0x82: {  	s19 =	sor.u32 $0x100, s30;
	[tilespmem:v14+s14+$0x0] =	vst.idx.msk $0xffff, v15  }
0x83: {  	v15 =	vld [tilespmem:s19+$0x0]  }
0x84: {  	v18 =	vadd.s32 v25, v18  }
0x85: {  	v16 =	vadd.s32 v18, v22  }
0x86: {  	v16 =	vadd.s32 $0xFFFFFFFF, v16  }
0x87: {  	vm2 =	vlt.s32 v16, v9  }
0x88: {  	v16 =	vsel vm2, v16, v9;
	[tilespmem:v14+s15+$0x0] =	vst.idx.msk $0xffff, v15  }
0x89: {  	v16 =	vsel vm1, v16, v10;
	v14 =	vld [tilespmem:s17+$0xB0];
	_ =	sdelay $0x4  }
0x8a: {  	s31 =	sadd.s32 $0x30, s18;
	[tilespmem:v16+s13+$0x0] =	vst.idx.msk $0xffff, v14  }
0x8b: {  	s18 =	sor.u32 $0x100, s31;
	[tilespmem:v16+s14+$0x0] =	vst.idx.msk $0xffff, v17  }
0x8c: {  	v15 =	vadd.s32 v27, v18;
	s17 =	simm.s32 $0x40;
	v14 =	vld [tilespmem:s18+$0x0];
	s18 =	simm.s32 $0x0  }
.LBB2_7:
0x8d: {  	_ =	sdelay $0x3  }
0x8e: {  	p2 =	sne.s32 s17, $0x600;
	s18 =	sadd.s32 $0x100, s18;
	p1 =	por !p1, !p1;
	[tilespmem:v16+s15+$0x0] =	vst.idx.msk $0xffff, v14  }
0x8f: {  	s19 =	sand.u32 $0x40, s17;
	s17 =	sadd.s32 $0x40, s17;
	s20 =	sand.u32 $0x1E00, s18;
	[tilespmem:$0x7680] =	vst v15  }
0x90: {  	s19 =	sor.u32 s19, s20  }
0x91: {  	v14 =	vld [tilespmem:s19+$0x0]  }
0x92: {  	v15 =	vld [tilespmem:s19+$0x30]  }
0x93: {  	v16 =	vld [tilespmem:s19+$0x20]  }
0x94: {  	v17 =	vld [tilespmem:s19+$0x10];
	_ =	sdelay $0x1  }
0x95: {  	v18 =	vsub.s32 v14, v0  }
0x96: {  	vm4 =	vlt.u32 v18, $0x140  }
0x97: {  	v16 =	vsub.s32 v16, v0;
	v19 =	vsel vm4, $0x1, v4  }
0x98: {  	v14 =	vsub.s32 v15, v0;
	v17 =	vsub.s32 v17, v0;
	vm2 =	vlt.u32 v16, $0x140;
	(xrf0) =	vadd.scan.msk.s32 $0xffff, v19  }
0x99: {  	vm1 =	vlt.u32 v14, $0x140;
	vm3 =	vlt.u32 v17, $0x140;
	v15 =	vsel vm2, $0x1, v4  }
0x9a: {  	v21 =	vsel vm1, $0x1, v4;
	v19 =	vld [tilespmem:$0x7680];
	v20 =	vsel vm3, $0x1, v4;
	(xrf0) =	vadd.scan.msk.s32 $0xffff, v15  }
0x9b: {  	(xrf0) =	vadd.scan.msk.s32 $0xffff, v20  }
0x9c: {  	(xrf0) =	vadd.scan.msk.s32 $0xffff, v21;
	_ =	sdelay $0x1  }
0x9d: {  	v15, _, _ =	vpop (xrf0)  }
0x9e: {  	v22 =	vadd.s32 v15, v19  }
0x9f: {  	[tilespmem:$0x7600] =	vst v15;
	v15 =	vadd.s32 $0xFFFFFFFF, v22;
	v20, _, _ =	vpop (xrf0)  }
0xa0: {  	[tilespmem:$0x7620] =	vst v20;
	vm5 =	vlt.s32 v15, v9;
	v21, _, _ =	vpop (xrf0)  }
0xa1: {  	[tilespmem:$0x7610] =	vst v21;
	v15 =	vsel vm5, v15, v9;
	v22, _, _ =	vpop (xrf0)  }
0xa2: {  	[tilespmem:$0x7630] =	vst v22;
	v15 =	vsel vm4, v15, v10  }
0xa3: {  	v23 =	vld [tilespmem:s19+$0x80]  }
0xa4: {  	s20 =	simm.s32 $0x1;
	v24 =	vld.idx.msk [tilespmem:v5+s12+$0x0], $0xffff  }
0xa5: {  	s20 =	simm.s32 @!p1 $0x0;
	v25 =	vld.idx.msk [tilespmem:v7+s12+$0x0], $0xffff  }
0xa6: {  	s20 =	sshll.u32 s20, $0x6;
	v26 =	vld.idx.msk [tilespmem:v6+s12+$0x0], $0xffff  }
0xa7: {  	s20 =	sadd.s32 s20, s18;
	v27 =	vld.idx.msk [tilespmem:v8+s12+$0x0], $0xffff  }
0xa8: {  	s30 =	sor.u32 $0x100, s20;
	s31 =	sadd.s32 $0x10, s20;
	s3 =	sadd.s32 $0x20, s20;
	[tilespmem:v15+s13+$0x0] =	vst.idx.msk $0xffff, v23  }
0xa9: {  	s20 =	sadd.s32 $0x30, s20;
	[tilespmem:v15+s14+$0x0] =	vst.idx.msk $0xffff, v18  }
0xaa: {  	v19 =	vadd.s32 v19, v24;
	v18 =	vld [tilespmem:s30+$0x0]  }
0xab: {  	v21 =	vadd.s32 v19, v21  }
0xac: {  	v21 =	vadd.s32 $0xFFFFFFFF, v21;
	v19 =	vadd.s32 v26, v19  }
0xad: {  	vm4 =	vlt.s32 v21, v9;
	v20 =	vadd.s32 v19, v20;
	v19 =	vadd.s32 v25, v19  }
0xae: {  	v21 =	vsel vm4, v21, v9;
	v20 =	vadd.s32 $0xFFFFFFFF, v20;
	v22 =	vadd.s32 v19, v22  }
0xaf: {  	[tilespmem:v15+s15+$0x0] =	vst.idx.msk $0xffff, v18;
	v18 =	vsel vm3, v21, v10;
	vm3 =	vlt.s32 v20, v9;
	v21 =	vadd.s32 $0xFFFFFFFF, v22  }
0xb0: {  	v15 =	vadd.s32 v27, v19;
	v22 =	vld [tilespmem:s19+$0x90];
	v20 =	vsel vm3, v20, v9;
	vm3 =	vlt.s32 v21, v9  }
0xb1: {  	v19 =	vsel vm3, v21, v9;
	_ =	sdelay $0x3  }
0xb2: {  	s30 =	sor.u32 $0x100, s31;
	[tilespmem:v18+s13+$0x0] =	vst.idx.msk $0xffff, v22  }
0xb3: {  	[tilespmem:v18+s14+$0x0] =	vst.idx.msk $0xffff, v17  }
0xb4: {  	v17 =	vld [tilespmem:s30+$0x0];
	_ =	sdelay $0x4  }
0xb5: {  	[tilespmem:v18+s15+$0x0] =	vst.idx.msk $0xffff, v17;
	v17 =	vsel vm2, v20, v10  }
0xb6: {  	v18 =	vld [tilespmem:s19+$0xA0];
	_ =	sdelay $0x4  }
0xb7: {  	s3 =	sor.u32 $0x100, s3;
	[tilespmem:v17+s13+$0x0] =	vst.idx.msk $0xffff, v18  }
0xb8: {  	[tilespmem:v17+s14+$0x0] =	vst.idx.msk $0xffff, v16  }
0xb9: {  	v16 =	vld [tilespmem:s3+$0x0];
	_ =	sdelay $0x4  }
0xba: {  	[tilespmem:v17+s15+$0x0] =	vst.idx.msk $0xffff, v16;
	v16 =	vsel vm1, v19, v10  }
0xbb: {  	v17 =	vld [tilespmem:s19+$0xB0];
	_ =	sdelay $0x2  }
.Ltmp2:
0xbc: {  	(pc) =	sbr.rel @p2 .LBB2_7-.Ltmp2, $4  }
0xbd: {  	_ = 	snop  }
0xbe: {  	s3 =	sor.u32 $0x100, s20;
	[tilespmem:v16+s13+$0x0] =	vst.idx.msk $0xffff, v17  }
0xbf: {  	[tilespmem:v16+s14+$0x0] =	vst.idx.msk $0xffff, v14  }
0xc0: {  	v14 =	vld [tilespmem:s3+$0x0]  }
0xc1: {  	_ =	sdelay $0x1  }
0xc2: {  	p1 =	seq.s32 s29, $0x31  }
0xc3: {  	s2 =	sshrl.u32 @!p1 s2, $0x3  }
0xc4: {  	s2 =	sadd.s32 @!p1 s4, s2;
	[tilespmem:v16+s15+$0x0] =	vst.idx.msk $0xffff, v14  }
0xc5: {  	s3 =	simm.s32 @!p1 $0x0;
	s2 =	sadd.s32 @!p1 $0x680, s2;
	[tilespmem:$0x7680] =	vst v15  }
0xc6: {  	[tilespmem:s3], [sflag:$0x3] =	stream.linear.gather @!p1 [hbm4b:s2+s3], $0x1A00, $0x38;
	[tilespmem:$0x1FF00] =	vst v63  }
0xc7: {  	s2 =	simm.s32 $0x0;
	_ =	swait.ge [sflag:s16], $0x1A00  }
0xc8: {  	s20 =	sand.u32 $0x40, s2;
	s17 =	sand.u32 $0x1E00, s2;
	[sflag:s16] =	ssyncset.done $0x0  }
0xc9: {  	s17 =	sor.u32 s20, s17;
	[sflag:s16] =	ssyncadd.s32 $0xFFFFE600  }
0xca: {  	v14 =	vld [tilespmem:s17+$0x1A00]  }
0xcb: {  	v15 =	vld [tilespmem:s17+$0x1A20]  }
0xcc: {  	v16 =	vld [tilespmem:s17+$0x1A10]  }
0xcd: {  	v17 =	vld [tilespmem:s17+$0x1A30];
	_ =	sdelay $0x1  }
0xce: {  	v14 =	vsub.s32 v14, v0  }
0xcf: {  	v15 =	vsub.s32 v15, v0;
	vm4 =	vlt.u32 v14, $0x140  }
0xd0: {  	v16 =	vsub.s32 v16, v0;
	vm2 =	vlt.u32 v15, $0x140;
	v18 =	vsel vm4, $0x1, v4  }
0xd1: {  	v17 =	vsub.s32 v17, v0;
	vm3 =	vlt.u32 v16, $0x140;
	(xrf0) =	vadd.scan.msk.s32 $0xffff, v18;
	v18 =	vsel vm2, $0x1, v4  }
0xd2: {  	vm1 =	vlt.u32 v17, $0x140;
	v19 =	vsel vm3, $0x1, v4;
	(xrf0) =	vadd.scan.msk.s32 $0xffff, v18  }
0xd3: {  	v20 =	vsel vm1, $0x1, v4;
	v18 =	vld [tilespmem:$0x7680];
	(xrf0) =	vadd.scan.msk.s32 $0xffff, v19  }
0xd4: {  	(xrf0) =	vadd.scan.msk.s32 $0xffff, v20;
	_ =	sdelay $0x2  }
0xd5: {  	v19, _, _ =	vpop (xrf0)  }
0xd6: {  	v63 =	vadd.s32 v19, v18;
	[tilespmem:$0x7600] =	vst v19;
	v19, _, _ =	vpop (xrf0)  }
0xd7: {  	v20 =	vadd.s32 $0xFFFFFFFF, v63;
	[tilespmem:$0x7620] =	vst v19;
	v21, _, _ =	vpop (xrf0)  }
0xd8: {  	vm5 =	vlt.s32 v20, v9;
	[tilespmem:$0x7610] =	vst v21;
	v22, _, _ =	vpop (xrf0)  }
0xd9: {  	v20 =	vsel vm5, v20, v9;
	[tilespmem:$0x7630] =	vst v22  }
0xda: {  	v20 =	vsel vm4, v20, v10;
	v23 =	vld [tilespmem:s17+$0x1A80];
	_ =	sdelay $0x1  }
0xdb: {  	p1 =	por $0x0, $0x0;
	s3 =	simm.s32 $0x1;
	v24 =	vld.idx.msk [tilespmem:v5+s12+$0x0], $0xffff  }
0xdc: {  	s3 =	simm.s32 @!p1 $0x0;
	v25 =	vld.idx.msk [tilespmem:v7+s12+$0x0], $0xffff  }
0xdd: {  	s3 =	sshll.u32 s3, $0x6;
	v26 =	vld.idx.msk [tilespmem:v6+s12+$0x0], $0xffff  }
0xde: {  	s3 =	sadd.s32 $0x0, s3;
	v27 =	vld.idx.msk [tilespmem:v8+s12+$0x0], $0xffff;
	[tilespmem:v20+s13+$0x0] =	vst.idx.msk $0xffff, v23  }
0xdf: {  	s18 =	sor.u32 $0x100, s3;
	[tilespmem:v20+s14+$0x0] =	vst.idx.msk $0xffff, v14  }
0xe0: {  	v14 =	vld [tilespmem:s18+$0x1A00]  }
0xe1: {  	v18 =	vadd.s32 v18, v24  }
0xe2: {  	v21 =	vadd.s32 v18, v21  }
0xe3: {  	v21 =	vadd.s32 $0xFFFFFFFF, v21  }
0xe4: {  	vm15 =	vlt.s32 v21, v9  }
0xe5: {  	v21 =	vsel vm15, v21, v9;
	[tilespmem:v20+s15+$0x0] =	vst.idx.msk $0xffff, v14  }
0xe6: {  	v14 =	vsel vm3, v21, v10;
	v20 =	vld [tilespmem:s17+$0x1A90];
	_ =	sdelay $0x4  }
0xe7: {  	s30 =	sadd.s32 $0x10, s3;
	[tilespmem:v14+s13+$0x0] =	vst.idx.msk $0xffff, v20  }
0xe8: {  	s18 =	sor.u32 $0x100, s30;
	[tilespmem:v14+s14+$0x0] =	vst.idx.msk $0xffff, v16  }
0xe9: {  	v16 =	vld [tilespmem:s18+$0x1A00]  }
0xea: {  	v18 =	vadd.s32 v26, v18  }
0xeb: {  	v19 =	vadd.s32 v18, v19  }
0xec: {  	v19 =	vadd.s32 $0xFFFFFFFF, v19  }
0xed: {  	vm3 =	vlt.s32 v19, v9  }
0xee: {  	v19 =	vsel vm3, v19, v9;
	[tilespmem:v14+s15+$0x0] =	vst.idx.msk $0xffff, v16  }
0xef: {  	v14 =	vsel vm2, v19, v10;
	v16 =	vld [tilespmem:s17+$0x1AA0];
	_ =	sdelay $0x4  }
0xf0: {  	s31 =	sadd.s32 $0x20, s3;
	[tilespmem:v14+s13+$0x0] =	vst.idx.msk $0xffff, v16  }
0xf1: {  	s18 =	sor.u32 $0x100, s31;
	[tilespmem:v14+s14+$0x0] =	vst.idx.msk $0xffff, v15  }
0xf2: {  	v15 =	vld [tilespmem:s18+$0x1A00]  }
0xf3: {  	v18 =	vadd.s32 v25, v18  }
0xf4: {  	v16 =	vadd.s32 v18, v22  }
0xf5: {  	v16 =	vadd.s32 $0xFFFFFFFF, v16  }
0xf6: {  	vm2 =	vlt.s32 v16, v9  }
0xf7: {  	v16 =	vsel vm2, v16, v9;
	[tilespmem:v14+s15+$0x0] =	vst.idx.msk $0xffff, v15  }
0xf8: {  	v16 =	vsel vm1, v16, v10;
	v14 =	vld [tilespmem:s17+$0x1AB0];
	_ =	sdelay $0x4  }
0xf9: {  	s3 =	sadd.s32 $0x30, s3;
	[tilespmem:v16+s13+$0x0] =	vst.idx.msk $0xffff, v14  }
0xfa: {  	s3 =	sor.u32 $0x100, s3;
	[tilespmem:v16+s14+$0x0] =	vst.idx.msk $0xffff, v17  }
0xfb: {  	v15 =	vadd.s32 v27, v18;
	s17 =	simm.s32 $0x40;
	v14 =	vld [tilespmem:s3+$0x1A00]  }
.LBB2_9:
0xfc: {  	_ =	sdelay $0x3  }
0xfd: {  	p2 =	sne.s32 s17, $0x600;
	s2 =	sadd.s32 $0x100, s2;
	p1 =	por !p1, !p1;
	[tilespmem:v16+s15+$0x0] =	vst.idx.msk $0xffff, v14  }
0xfe: {  	s3 =	sand.u32 $0x40, s17;
	s17 =	sadd.s32 $0x40, s17;
	s18 =	sand.u32 $0x1E00, s2;
	[tilespmem:$0x7680] =	vst v15  }
0xff: {  	s18 =	sor.u32 s3, s18  }
0x100: {  	v14 =	vld [tilespmem:s18+$0x1A00]  }
0x101: {  	v15 =	vld [tilespmem:s18+$0x1A30]  }
0x102: {  	v16 =	vld [tilespmem:s18+$0x1A20]  }
0x103: {  	v17 =	vld [tilespmem:s18+$0x1A10];
	_ =	sdelay $0x1  }
0x104: {  	v18 =	vsub.s32 v14, v0  }
0x105: {  	vm4 =	vlt.u32 v18, $0x140  }
0x106: {  	v16 =	vsub.s32 v16, v0;
	v19 =	vsel vm4, $0x1, v4  }
0x107: {  	v14 =	vsub.s32 v15, v0;
	v17 =	vsub.s32 v17, v0;
	vm2 =	vlt.u32 v16, $0x140;
	(xrf0) =	vadd.scan.msk.s32 $0xffff, v19  }
0x108: {  	vm1 =	vlt.u32 v14, $0x140;
	vm3 =	vlt.u32 v17, $0x140;
	v15 =	vsel vm2, $0x1, v4  }
0x109: {  	v21 =	vsel vm1, $0x1, v4;
	v19 =	vld [tilespmem:$0x7680];
	v20 =	vsel vm3, $0x1, v4;
	(xrf0) =	vadd.scan.msk.s32 $0xffff, v15  }
0x10a: {  	(xrf0) =	vadd.scan.msk.s32 $0xffff, v20  }
0x10b: {  	(xrf0) =	vadd.scan.msk.s32 $0xffff, v21;
	_ =	sdelay $0x1  }
0x10c: {  	v15, _, _ =	vpop (xrf0)  }
0x10d: {  	v22 =	vadd.s32 v15, v19  }
0x10e: {  	[tilespmem:$0x7600] =	vst v15;
	v15 =	vadd.s32 $0xFFFFFFFF, v22;
	v20, _, _ =	vpop (xrf0)  }
0x10f: {  	[tilespmem:$0x7620] =	vst v20;
	vm5 =	vlt.s32 v15, v9;
	v21, _, _ =	vpop (xrf0)  }
0x110: {  	[tilespmem:$0x7610] =	vst v21;
	v15 =	vsel vm5, v15, v9;
	v22, _, _ =	vpop (xrf0)  }
0x111: {  	[tilespmem:$0x7630] =	vst v22;
	v15 =	vsel vm4, v15, v10  }
0x112: {  	v23 =	vld [tilespmem:s18+$0x1A80]  }
0x113: {  	s3 =	simm.s32 $0x1;
	v24 =	vld.idx.msk [tilespmem:v5+s12+$0x0], $0xffff  }
0x114: {  	s3 =	simm.s32 @!p1 $0x0;
	v25 =	vld.idx.msk [tilespmem:v7+s12+$0x0], $0xffff  }
0x115: {  	s3 =	sshll.u32 s3, $0x6;
	v26 =	vld.idx.msk [tilespmem:v6+s12+$0x0], $0xffff  }
0x116: {  	s3 =	sadd.s32 s3, s2;
	v27 =	vld.idx.msk [tilespmem:v8+s12+$0x0], $0xffff  }
0x117: {  	s20 =	sor.u32 $0x100, s3;
	s30 =	sadd.s32 $0x10, s3;
	s31 =	sadd.s32 $0x20, s3;
	[tilespmem:v15+s13+$0x0] =	vst.idx.msk $0xffff, v23  }
0x118: {  	s19 =	sadd.s32 $0x30, s3;
	[tilespmem:v15+s14+$0x0] =	vst.idx.msk $0xffff, v18  }
0x119: {  	v19 =	vadd.s32 v19, v24;
	v18 =	vld [tilespmem:s20+$0x1A00]  }
0x11a: {  	v21 =	vadd.s32 v19, v21  }
0x11b: {  	v21 =	vadd.s32 $0xFFFFFFFF, v21;
	v19 =	vadd.s32 v26, v19  }
0x11c: {  	vm4 =	vlt.s32 v21, v9;
	v20 =	vadd.s32 v19, v20;
	v19 =	vadd.s32 v25, v19  }
0x11d: {  	v21 =	vsel vm4, v21, v9;
	v20 =	vadd.s32 $0xFFFFFFFF, v20;
	v22 =	vadd.s32 v19, v22  }
0x11e: {  	[tilespmem:v15+s15+$0x0] =	vst.idx.msk $0xffff, v18;
	v18 =	vsel vm3, v21, v10;
	vm3 =	vlt.s32 v20, v9;
	v21 =	vadd.s32 $0xFFFFFFFF, v22  }
0x11f: {  	v15 =	vadd.s32 v27, v19;
	v22 =	vld [tilespmem:s18+$0x1A90];
	v20 =	vsel vm3, v20, v9;
	vm3 =	vlt.s32 v21, v9  }
0x120: {  	v19 =	vsel vm3, v21, v9;
	_ =	sdelay $0x3  }
0x121: {  	s3 =	sor.u32 $0x100, s30;
	[tilespmem:v18+s13+$0x0] =	vst.idx.msk $0xffff, v22  }
0x122: {  	[tilespmem:v18+s14+$0x0] =	vst.idx.msk $0xffff, v17  }
0x123: {  	v17 =	vld [tilespmem:s3+$0x1A00];
	_ =	sdelay $0x4  }
0x124: {  	[tilespmem:v18+s15+$0x0] =	vst.idx.msk $0xffff, v17;
	v17 =	vsel vm2, v20, v10  }
0x125: {  	v18 =	vld [tilespmem:s18+$0x1AA0];
	_ =	sdelay $0x4  }
0x126: {  	s3 =	sor.u32 $0x100, s31;
	[tilespmem:v17+s13+$0x0] =	vst.idx.msk $0xffff, v18  }
0x127: {  	[tilespmem:v17+s14+$0x0] =	vst.idx.msk $0xffff, v16  }
0x128: {  	v16 =	vld [tilespmem:s3+$0x1A00];
	_ =	sdelay $0x4  }
0x129: {  	[tilespmem:v17+s15+$0x0] =	vst.idx.msk $0xffff, v16;
	v16 =	vsel vm1, v19, v10  }
0x12a: {  	v17 =	vld [tilespmem:s18+$0x1AB0];
	_ =	sdelay $0x2  }
.Ltmp3:
0x12b: {  	(pc) =	sbr.rel @p2 .LBB2_9-.Ltmp3, $4  }
0x12c: {  	_ = 	snop  }
0x12d: {  	s3 =	sor.u32 $0x100, s19;
	[tilespmem:v16+s13+$0x0] =	vst.idx.msk $0xffff, v17  }
0x12e: {  	[tilespmem:v16+s14+$0x0] =	vst.idx.msk $0xffff, v14  }
0x12f: {  	v14 =	vld [tilespmem:s3+$0x1A00]  }
0x130: {  	s29 =	sadd.s32 $0x1, s29  }
0x131: {  	p1 =	sne.s32 s29, $0x32  }
.Ltmp4:
0x132: {  	_ = 	snop;
	(pc) =	sbr.rel @p1 .LBB2_6-.Ltmp4, $3  }
0x133: {  	_ =	sdelay $0x1  }
0x134: {  	[tilespmem:v16+s15+$0x0] =	vst.idx.msk $0xffff, v14  }
0x135: {  	[tilespmem:$0x7680] =	vst v15  }
0x136: {  	v14 =	vld [tilespmem:$0x3400];
	_ =	sdelay $0x4  }
0x137: {  	v15 =	vshll.u32 v14, $0x1  }
0x138: {  	v14 =	vand.u32 $0x7, v14;
	v15 =	vand.u32 $0xFFFFFFF0, v15  }
0x139: {  	v14 =	vor.u32 v14, v15  }
0x13a: {  	v15 =	vperm.xlane v14, v11;
	_ =	sdelay $0x1  }
0x13b: {  	v14 =	vperm.xlane v14, v13;
	v15 =	vadd.s32 v12, v15;
	_ =	sdelay $0x1  }
0x13c: {  	v14 =	vadd.s32 v12, v14;
	_ =	sdelay $0x1  }
0x13d: {  	s29 =	simm.s32 $0x0;
	s0 =	simm.s32 $0x7700  }
0x13e: {  	[tilespmem:s0], [sflag:$0x1] =	stream.indirect_vreg.gather [hbm4b:s1+s29], $0x80, v15, vm0, $0xb8;
	[tilespmem:$0x1FF00] =	vst v63  }
0x13f: {  	s18 =	simm.s32 $0x7F00  }
0x140: {  	[tilespmem:s18], [sflag:$0x1] =	stream.indirect_vreg.gather [hbm4b:s1+s29], $0x80, v14, vm0, $0xb8;
	[tilespmem:$0x1FF00] =	vst v63  }
0x141: {  	v14 =	vld [tilespmem:$0x3410];
	_ =	sdelay $0x4  }
0x142: {  	v15 =	vshll.u32 v14, $0x1  }
0x143: {  	v14 =	vand.u32 $0x7, v14;
	v15 =	vand.u32 $0xFFFFFFF0, v15  }
0x144: {  	v14 =	vor.u32 v14, v15  }
0x145: {  	v15 =	vperm.xlane v14, v11;
	_ =	sdelay $0x1  }
0x146: {  	v14 =	vperm.xlane v14, v13;
	v15 =	vadd.s32 v12, v15;
	_ =	sdelay $0x1  }
0x147: {  	v14 =	vadd.s32 v12, v14;
	_ =	sdelay $0x1  }
0x148: {  	s19 =	simm.s32 $0x8700;
	s20 =	simm.s32 $0x8F00  }
0x149: {  	[tilespmem:s19], [sflag:$0x1] =	stream.indirect_vreg.gather [hbm4b:s1+s29], $0x80, v15, vm0, $0xb8;
	[tilespmem:$0x1FF00] =	vst v63  }
0x14a: {  	s30 =	simm.s32 $0x20;
	s31 =	simm.s32 $0x0;
	s0 =	simm.s32 $0x0  }
0x14b: {  	[tilespmem:s20], [sflag:$0x1] =	stream.indirect_vreg.gather [hbm4b:s1+s29], $0x80, v14, vm0, $0xb8;
	[tilespmem:$0x1FF00] =	vst v63  }
.LBB2_12:
0x14c: {  	s2 =	sshll.u32 s0, $0x6  }
0x14d: {  	v14 =	vld [tilespmem:s2+$0x3420];
	_ =	sdelay $0x4  }
0x14e: {  	v15 =	vshll.u32 v14, $0x1  }
0x14f: {  	v14 =	vand.u32 $0x7, v14;
	v15 =	vand.u32 $0xFFFFFFF0, v15  }
0x150: {  	v14 =	vor.u32 v14, v15  }
0x151: {  	v15 =	vperm.xlane v14, v11;
	_ =	sdelay $0x1  }
0x152: {  	v14 =	vperm.xlane v14, v13;
	v15 =	vadd.s32 v12, v15;
	_ =	sdelay $0x1  }
0x153: {  	v14 =	vadd.s32 v12, v14;
	_ =	sdelay $0x2  }
0x154: {  	[tilespmem:s21], [sflag:$0x2] =	stream.indirect_vreg.gather [hbm4b:s1+s29], $0x80, v15, vm0, $0xb8;
	[tilespmem:$0x1FF00] =	vst v63  }
0x155: {  	_ = 	snop  }
0x156: {  	[tilespmem:s22], [sflag:$0x2] =	stream.indirect_vreg.gather [hbm4b:s1+s29], $0x80, v14, vm0, $0xb8;
	[tilespmem:$0x1FF00] =	vst v63  }
0x157: {  	v14 =	vld [tilespmem:s2+$0x3430];
	_ =	sdelay $0x4  }
0x158: {  	v15 =	vshll.u32 v14, $0x1  }
0x159: {  	v14 =	vand.u32 $0x7, v14;
	v15 =	vand.u32 $0xFFFFFFF0, v15  }
0x15a: {  	v14 =	vor.u32 v14, v15  }
0x15b: {  	v15 =	vperm.xlane v14, v11;
	_ =	sdelay $0x1  }
0x15c: {  	v14 =	vperm.xlane v14, v13;
	v15 =	vadd.s32 v12, v15;
	_ =	sdelay $0x1  }
0x15d: {  	v14 =	vadd.s32 v12, v14;
	_ =	sdelay $0x2  }
0x15e: {  	[tilespmem:s23], [sflag:$0x2] =	stream.indirect_vreg.gather [hbm4b:s1+s29], $0x80, v15, vm0, $0xb8;
	[tilespmem:$0x1FF00] =	vst v63  }
0x15f: {  	v15 =	vmov s31  }
0x160: {  	[tilespmem:s24], [sflag:$0x2] =	stream.indirect_vreg.gather [hbm4b:s1+s29], $0x80, v14, vm0, $0xb8;
	[tilespmem:$0x1FF00] =	vst v63  }
0x161: {  	_ =	swait.ge [sflag:s11], $0x2000  }
0x162: {  	[sflag:s11] =	ssyncset.done $0x0  }
0x163: {  	[sflag:s11] =	ssyncadd.s32 $0xFFFFE000  }
0x164: {  	v14 =	vld.idx.msk [tilespmem:v15+s14+$0x0], $0xffff;
	_ =	sdelay $0x3  }
0x165: {  	s20 =	sand.u32 $0x1800, s29;
	s3 =	sand.u32 $0x380, s29  }
0x166: {  	s2 =	sor.u32 s3, s20;
	v29 =	vld.idx.msk [tilespmem:v15+s15+$0x0], $0xffff;
	v15 =	vshll.u32 v14, $0x8;
	v14 =	vshll.u32 v14, $0x7  }
0x167: {  	v16 =	vld [tilespmem:s2+$0x7700];
	v15 =	vand.u32 $0xFFFFF800, v15;
	v14 =	vand.u32 $0x380, v14  }
0x168: {  	v30 =	vor.u32 v14, v15  }
0x169: {  	v14 =	vor.u32 v2, v30;
	_ =	sdelay $0x2  }
0x16a: {  	v15 =	vmul.f32 v16, v29;
	_ =	sdelay $0x1  }
0x16b: {  	[tilespmem:v14+s25+$0x0] =	vst.idx.add.f32.msk $0xffff, v15  }
0x16c: {  	v15 =	vld [tilespmem:s2+$0x7710]  }
0x16d: {  	v14 =	vor.u32 $0x10, v2  }
0x16e: {  	v16 =	vor.u32 v14, v30;
	_ =	sdelay $0x2  }
0x16f: {  	v15 =	vmul.f32 v15, v29;
	_ =	sdelay $0x1  }
0x170: {  	[tilespmem:v16+s25+$0x0] =	vst.idx.add.f32.msk $0xffff, v15  }
0x171: {  	v16 =	vld [tilespmem:s2+$0x7720]  }
0x172: {  	v15 =	vor.u32 $0x20, v2  }
0x173: {  	v17 =	vor.u32 v15, v30;
	_ =	sdelay $0x2  }
0x174: {  	v16 =	vmul.f32 v16, v29;
	_ =	sdelay $0x1  }
0x175: {  	[tilespmem:v17+s25+$0x0] =	vst.idx.add.f32.msk $0xffff, v16  }
0x176: {  	v17 =	vld [tilespmem:s2+$0x7730]  }
0x177: {  	v16 =	vor.u32 $0x30, v2  }
0x178: {  	v18 =	vor.u32 v16, v30;
	_ =	sdelay $0x2  }
0x179: {  	v17 =	vmul.f32 v17, v29;
	_ =	sdelay $0x1  }
0x17a: {  	[tilespmem:v18+s25+$0x0] =	vst.idx.add.f32.msk $0xffff, v17  }
0x17b: {  	v18 =	vld [tilespmem:s2+$0x7740]  }
0x17c: {  	v17 =	vor.u32 $0x40, v2  }
0x17d: {  	v19 =	vor.u32 v17, v30;
	_ =	sdelay $0x2  }
0x17e: {  	v18 =	vmul.f32 v18, v29;
	_ =	sdelay $0x1  }
0x17f: {  	[tilespmem:v19+s25+$0x0] =	vst.idx.add.f32.msk $0xffff, v18  }
0x180: {  	v19 =	vld [tilespmem:s2+$0x7750]  }
0x181: {  	v18 =	vor.u32 $0x50, v2  }
0x182: {  	v20 =	vor.u32 v18, v30;
	_ =	sdelay $0x2  }
0x183: {  	v19 =	vmul.f32 v19, v29;
	_ =	sdelay $0x1  }
0x184: {  	[tilespmem:v20+s25+$0x0] =	vst.idx.add.f32.msk $0xffff, v19  }
0x185: {  	v20 =	vld [tilespmem:s2+$0x7760]  }
0x186: {  	v19 =	vor.u32 $0x60, v2  }
0x187: {  	v21 =	vor.u32 v19, v30;
	_ =	sdelay $0x2  }
0x188: {  	v20 =	vmul.f32 v20, v29;
	_ =	sdelay $0x1  }
0x189: {  	[tilespmem:v21+s25+$0x0] =	vst.idx.add.f32.msk $0xffff, v20  }
0x18a: {  	v21 =	vld [tilespmem:s2+$0x7770]  }
0x18b: {  	v20 =	vor.u32 $0x70, v2  }
0x18c: {  	v22 =	vor.u32 v20, v30;
	_ =	sdelay $0x2  }
0x18d: {  	v21 =	vmul.f32 v21, v29;
	_ =	sdelay $0x1  }
0x18e: {  	[tilespmem:v22+s25+$0x0] =	vst.idx.add.f32.msk $0xffff, v21  }
0x18f: {  	v22 =	vld [tilespmem:s2+$0x7B00]  }
0x190: {  	v21 =	vor.u32 $0x400, v2  }
0x191: {  	v23 =	vor.u32 v21, v30;
	_ =	sdelay $0x2  }
0x192: {  	v22 =	vmul.f32 v22, v29;
	_ =	sdelay $0x1  }
0x193: {  	[tilespmem:v23+s25+$0x0] =	vst.idx.add.f32.msk $0xffff, v22  }
0x194: {  	v23 =	vld [tilespmem:s2+$0x7B10]  }
0x195: {  	v22 =	vor.u32 $0x410, v2  }
0x196: {  	v24 =	vor.u32 v22, v30;
	_ =	sdelay $0x2  }
0x197: {  	v23 =	vmul.f32 v23, v29;
	_ =	sdelay $0x1  }
0x198: {  	[tilespmem:v24+s25+$0x0] =	vst.idx.add.f32.msk $0xffff, v23  }
0x199: {  	v24 =	vld [tilespmem:s2+$0x7B20]  }
0x19a: {  	v23 =	vor.u32 $0x420, v2  }
0x19b: {  	v25 =	vor.u32 v23, v30;
	_ =	sdelay $0x2  }
0x19c: {  	v24 =	vmul.f32 v24, v29;
	_ =	sdelay $0x1  }
0x19d: {  	[tilespmem:v25+s25+$0x0] =	vst.idx.add.f32.msk $0xffff, v24  }
0x19e: {  	v25 =	vld [tilespmem:s2+$0x7B30]  }
0x19f: {  	v24 =	vor.u32 $0x430, v2  }
0x1a0: {  	v26 =	vor.u32 v24, v30;
	_ =	sdelay $0x2  }
0x1a1: {  	v25 =	vmul.f32 v25, v29;
	_ =	sdelay $0x1  }
0x1a2: {  	[tilespmem:v26+s25+$0x0] =	vst.idx.add.f32.msk $0xffff, v25  }
0x1a3: {  	v26 =	vld [tilespmem:s2+$0x7B40]  }
0x1a4: {  	v25 =	vor.u32 $0x440, v2  }
0x1a5: {  	v27 =	vor.u32 v25, v30;
	_ =	sdelay $0x2  }
0x1a6: {  	v26 =	vmul.f32 v26, v29;
	_ =	sdelay $0x1  }
0x1a7: {  	[tilespmem:v27+s25+$0x0] =	vst.idx.add.f32.msk $0xffff, v26  }
0x1a8: {  	v27 =	vld [tilespmem:s2+$0x7B50]  }
0x1a9: {  	v26 =	vor.u32 $0x450, v2  }
0x1aa: {  	v28 =	vor.u32 v26, v30;
	_ =	sdelay $0x2  }
0x1ab: {  	v27 =	vmul.f32 v27, v29;
	_ =	sdelay $0x1  }
0x1ac: {  	[tilespmem:v28+s25+$0x0] =	vst.idx.add.f32.msk $0xffff, v27  }
0x1ad: {  	v28 =	vld [tilespmem:s2+$0x7B60]  }
0x1ae: {  	v27 =	vor.u32 $0x460, v2  }
0x1af: {  	v31 =	vor.u32 v27, v30;
	_ =	sdelay $0x2  }
0x1b0: {  	v28 =	vmul.f32 v28, v29;
	_ =	sdelay $0x1  }
0x1b1: {  	[tilespmem:v31+s25+$0x0] =	vst.idx.add.f32.msk $0xffff, v28  }
0x1b2: {  	v32 =	vld [tilespmem:s2+$0x7B70]  }
0x1b3: {  	v28 =	vor.u32 $0x470, v2  }
0x1b4: {  	s17 =	sadd.s32 $0x1, s31;
	v31 =	vor.u32 v28, v30  }
0x1b5: {  	v30 =	vmov s17;
	_ =	sdelay $0x1  }
0x1b6: {  	s18 =	simm.s32 $0x200;
	s19 =	simm.s32 $0x0;
	s2 =	simm.s32 $0x100;
	v29 =	vmul.f32 v32, v29  }
.LBB2_13:
0x1b7: {  	p1 =	sne.s32 s18, $0x1F00  }
0x1b8: {  	s19 =	sadd.s32 $0x80, s19;
	s3 =	smov.u32 s18;
	s18 =	sadd.s32 $0x100, s18;
	[tilespmem:v31+s25+$0x0] =	vst.idx.add.f32.msk $0xffff, v29  }
0x1b9: {  	v31 =	vld.idx.msk [tilespmem:v30+s14+$0x0], $0xffff;
	_ =	sdelay $0x4  }
0x1ba: {  	s20 =	sand.u32 $0x1800, s2;
	s6 =	sand.u32 $0x380, s19;
	s2 =	smov.u32 s3  }
0x1bb: {  	s20 =	sor.u32 s6, s20;
	v29 =	vld.idx.msk [tilespmem:v30+s15+$0x0], $0xffff;
	v30 =	vshll.u32 v31, $0x8;
	v31 =	vshll.u32 v31, $0x7  }
0x1bc: {  	v32 =	vld [tilespmem:s20+$0x7700];
	v30 =	vand.u32 $0xFFFFF800, v30;
	v31 =	vand.u32 $0x380, v31  }
0x1bd: {  	v30 =	vor.u32 v31, v30  }
0x1be: {  	v31 =	vor.u32 v2, v30;
	_ =	sdelay $0x2  }
0x1bf: {  	v32 =	vmul.f32 v32, v29;
	_ =	sdelay $0x1  }
0x1c0: {  	[tilespmem:v31+s25+$0x0] =	vst.idx.add.f32.msk $0xffff, v32  }
0x1c1: {  	v31 =	vld [tilespmem:s20+$0x7710];
	_ =	sdelay $0x1  }
0x1c2: {  	v32 =	vor.u32 v14, v30;
	_ =	sdelay $0x2  }
0x1c3: {  	v31 =	vmul.f32 v31, v29;
	_ =	sdelay $0x1  }
0x1c4: {  	[tilespmem:v32+s25+$0x0] =	vst.idx.add.f32.msk $0xffff, v31  }
0x1c5: {  	v31 =	vld [tilespmem:s20+$0x7720];
	_ =	sdelay $0x1  }
0x1c6: {  	v32 =	vor.u32 v15, v30;
	_ =	sdelay $0x2  }
0x1c7: {  	v31 =	vmul.f32 v31, v29;
	_ =	sdelay $0x1  }
0x1c8: {  	[tilespmem:v32+s25+$0x0] =	vst.idx.add.f32.msk $0xffff, v31  }
0x1c9: {  	v31 =	vld [tilespmem:s20+$0x7730];
	_ =	sdelay $0x1  }
0x1ca: {  	v32 =	vor.u32 v16, v30;
	_ =	sdelay $0x2  }
0x1cb: {  	v31 =	vmul.f32 v31, v29;
	_ =	sdelay $0x1  }
0x1cc: {  	[tilespmem:v32+s25+$0x0] =	vst.idx.add.f32.msk $0xffff, v31  }
0x1cd: {  	v31 =	vld [tilespmem:s20+$0x7740];
	_ =	sdelay $0x1  }
0x1ce: {  	v32 =	vor.u32 v17, v30;
	_ =	sdelay $0x2  }
0x1cf: {  	v31 =	vmul.f32 v31, v29;
	_ =	sdelay $0x1  }
0x1d0: {  	[tilespmem:v32+s25+$0x0] =	vst.idx.add.f32.msk $0xffff, v31  }
0x1d1: {  	v31 =	vld [tilespmem:s20+$0x7750];
	_ =	sdelay $0x1  }
0x1d2: {  	v32 =	vor.u32 v18, v30;
	_ =	sdelay $0x2  }
0x1d3: {  	v31 =	vmul.f32 v31, v29;
	_ =	sdelay $0x1  }
0x1d4: {  	[tilespmem:v32+s25+$0x0] =	vst.idx.add.f32.msk $0xffff, v31  }
0x1d5: {  	v31 =	vld [tilespmem:s20+$0x7760];
	_ =	sdelay $0x1  }
0x1d6: {  	v32 =	vor.u32 v19, v30;
	_ =	sdelay $0x2  }
0x1d7: {  	v31 =	vmul.f32 v31, v29;
	_ =	sdelay $0x1  }
0x1d8: {  	[tilespmem:v32+s25+$0x0] =	vst.idx.add.f32.msk $0xffff, v31  }
0x1d9: {  	v31 =	vld [tilespmem:s20+$0x7770];
	_ =	sdelay $0x1  }
0x1da: {  	v32 =	vor.u32 v20, v30;
	_ =	sdelay $0x2  }
0x1db: {  	v31 =	vmul.f32 v31, v29;
	_ =	sdelay $0x1  }
0x1dc: {  	[tilespmem:v32+s25+$0x0] =	vst.idx.add.f32.msk $0xffff, v31  }
0x1dd: {  	v31 =	vld [tilespmem:s20+$0x7B00];
	_ =	sdelay $0x1  }
0x1de: {  	v32 =	vor.u32 v21, v30;
	_ =	sdelay $0x2  }
0x1df: {  	v31 =	vmul.f32 v31, v29;
	_ =	sdelay $0x1  }
0x1e0: {  	[tilespmem:v32+s25+$0x0] =	vst.idx.add.f32.msk $0xffff, v31  }
0x1e1: {  	v31 =	vld [tilespmem:s20+$0x7B10];
	_ =	sdelay $0x1  }
0x1e2: {  	v32 =	vor.u32 v22, v30;
	_ =	sdelay $0x2  }
0x1e3: {  	v31 =	vmul.f32 v31, v29;
	_ =	sdelay $0x1  }
0x1e4: {  	[tilespmem:v32+s25+$0x0] =	vst.idx.add.f32.msk $0xffff, v31  }
0x1e5: {  	v31 =	vld [tilespmem:s20+$0x7B20];
	_ =	sdelay $0x1  }
0x1e6: {  	v32 =	vor.u32 v23, v30;
	_ =	sdelay $0x2  }
0x1e7: {  	v31 =	vmul.f32 v31, v29;
	_ =	sdelay $0x1  }
0x1e8: {  	[tilespmem:v32+s25+$0x0] =	vst.idx.add.f32.msk $0xffff, v31  }
0x1e9: {  	v31 =	vld [tilespmem:s20+$0x7B30];
	_ =	sdelay $0x1  }
0x1ea: {  	v32 =	vor.u32 v24, v30;
	_ =	sdelay $0x2  }
0x1eb: {  	v31 =	vmul.f32 v31, v29;
	_ =	sdelay $0x1  }
0x1ec: {  	[tilespmem:v32+s25+$0x0] =	vst.idx.add.f32.msk $0xffff, v31  }
0x1ed: {  	v31 =	vld [tilespmem:s20+$0x7B40];
	_ =	sdelay $0x1  }
0x1ee: {  	v32 =	vor.u32 v25, v30;
	_ =	sdelay $0x2  }
0x1ef: {  	v31 =	vmul.f32 v31, v29;
	_ =	sdelay $0x1  }
0x1f0: {  	[tilespmem:v32+s25+$0x0] =	vst.idx.add.f32.msk $0xffff, v31  }
0x1f1: {  	v31 =	vld [tilespmem:s20+$0x7B50];
	_ =	sdelay $0x1  }
0x1f2: {  	v32 =	vor.u32 v26, v30;
	_ =	sdelay $0x2  }
0x1f3: {  	v31 =	vmul.f32 v31, v29;
	_ =	sdelay $0x1  }
0x1f4: {  	[tilespmem:v32+s25+$0x0] =	vst.idx.add.f32.msk $0xffff, v31  }
0x1f5: {  	v31 =	vld [tilespmem:s20+$0x7B60];
	_ =	sdelay $0x1  }
0x1f6: {  	v32 =	vor.u32 v27, v30;
	_ =	sdelay $0x2  }
0x1f7: {  	v31 =	vmul.f32 v31, v29;
	_ =	sdelay $0x1  }
0x1f8: {  	[tilespmem:v32+s25+$0x0] =	vst.idx.add.f32.msk $0xffff, v31  }
0x1f9: {  	v32 =	vld [tilespmem:s20+$0x7B70]  }
.Ltmp5:
0x1fa: {  	(pc) =	sbr.rel @p1 .LBB2_13-.Ltmp5, $3  }
0x1fb: {  	s17 =	sadd.s32 $0x1, s17;
	v31 =	vor.u32 v28, v30  }
0x1fc: {  	v30 =	vmov s17;
	_ =	sdelay $0x1  }
0x1fd: {  	v29 =	vmul.f32 v32, v29  }
0x1fe: {  	_ =	sdelay $0x3  }
0x1ff: {  	[tilespmem:v31+s25+$0x0] =	vst.idx.add.f32.msk $0xffff, v29  }
0x200: {  	v29 =	vld.idx.msk [tilespmem:v30+s14+$0x0], $0xffff;
	_ =	sdelay $0x2  }
0x201: {  	s3 =	sadd.s32 $0x80, s19  }
0x202: {  	s2 =	sand.u32 $0x1800, s2;
	s3 =	sand.u32 $0x380, s3  }
0x203: {  	v30 =	vld.idx.msk [tilespmem:v30+s15+$0x0], $0xffff;
	s2 =	sor.u32 s3, s2;
	v31 =	vshll.u32 v29, $0x8;
	v29 =	vshll.u32 v29, $0x7  }
0x204: {  	v32 =	vld [tilespmem:s2+$0x7700];
	v31 =	vand.u32 $0xFFFFF800, v31;
	v29 =	vand.u32 $0x380, v29  }
0x205: {  	v29 =	vor.u32 v29, v31  }
0x206: {  	v31 =	vor.u32 v2, v29;
	_ =	sdelay $0x2  }
0x207: {  	v32 =	vmul.f32 v32, v30;
	_ =	sdelay $0x1  }
0x208: {  	[tilespmem:v31+s25+$0x0] =	vst.idx.add.f32.msk $0xffff, v32  }
0x209: {  	v31 =	vld [tilespmem:s2+$0x7710];
	_ =	sdelay $0x1  }
0x20a: {  	v48 =	vor.u32 v14, v29;
	_ =	sdelay $0x2  }
0x20b: {  	v31 =	vmul.f32 v31, v30;
	_ =	sdelay $0x1  }
0x20c: {  	[tilespmem:v48+s25+$0x0] =	vst.idx.add.f32.msk $0xffff, v31  }
0x20d: {  	v31 =	vld [tilespmem:s2+$0x7720];
	_ =	sdelay $0x1  }
0x20e: {  	v49 =	vor.u32 v15, v29;
	_ =	sdelay $0x2  }
0x20f: {  	v31 =	vmul.f32 v31, v30;
	_ =	sdelay $0x1  }
0x210: {  	[tilespmem:v49+s25+$0x0] =	vst.idx.add.f32.msk $0xffff, v31  }
0x211: {  	v31 =	vld [tilespmem:s2+$0x7730];
	_ =	sdelay $0x1  }
0x212: {  	v50 =	vor.u32 v16, v29;
	_ =	sdelay $0x2  }
0x213: {  	v31 =	vmul.f32 v31, v30;
	_ =	sdelay $0x1  }
0x214: {  	[tilespmem:v50+s25+$0x0] =	vst.idx.add.f32.msk $0xffff, v31  }
0x215: {  	v31 =	vld [tilespmem:s2+$0x7740];
	_ =	sdelay $0x1  }
0x216: {  	v51 =	vor.u32 v17, v29;
	_ =	sdelay $0x2  }
0x217: {  	v31 =	vmul.f32 v31, v30;
	_ =	sdelay $0x1  }
0x218: {  	[tilespmem:v51+s25+$0x0] =	vst.idx.add.f32.msk $0xffff, v31  }
0x219: {  	v31 =	vld [tilespmem:s2+$0x7750];
	_ =	sdelay $0x1  }
0x21a: {  	v52 =	vor.u32 v18, v29;
	_ =	sdelay $0x2  }
0x21b: {  	v31 =	vmul.f32 v31, v30;
	_ =	sdelay $0x1  }
0x21c: {  	[tilespmem:v52+s25+$0x0] =	vst.idx.add.f32.msk $0xffff, v31  }
0x21d: {  	v31 =	vld [tilespmem:s2+$0x7760];
	_ =	sdelay $0x1  }
0x21e: {  	v53 =	vor.u32 v19, v29;
	_ =	sdelay $0x2  }
0x21f: {  	v31 =	vmul.f32 v31, v30;
	_ =	sdelay $0x1  }
0x220: {  	[tilespmem:v53+s25+$0x0] =	vst.idx.add.f32.msk $0xffff, v31  }
0x221: {  	v31 =	vld [tilespmem:s2+$0x7770];
	_ =	sdelay $0x1  }
0x222: {  	v54 =	vor.u32 v20, v29;
	_ =	sdelay $0x2  }
0x223: {  	v31 =	vmul.f32 v31, v30;
	_ =	sdelay $0x1  }
0x224: {  	[tilespmem:v54+s25+$0x0] =	vst.idx.add.f32.msk $0xffff, v31  }
0x225: {  	v31 =	vld [tilespmem:s2+$0x7B00];
	_ =	sdelay $0x1  }
0x226: {  	v55 =	vor.u32 v21, v29;
	_ =	sdelay $0x2  }
0x227: {  	v31 =	vmul.f32 v31, v30;
	_ =	sdelay $0x1  }
0x228: {  	[tilespmem:v55+s25+$0x0] =	vst.idx.add.f32.msk $0xffff, v31  }
0x229: {  	v31 =	vld [tilespmem:s2+$0x7B10];
	_ =	sdelay $0x1  }
0x22a: {  	v56 =	vor.u32 v22, v29;
	_ =	sdelay $0x2  }
0x22b: {  	v31 =	vmul.f32 v31, v30;
	_ =	sdelay $0x1  }
0x22c: {  	[tilespmem:v56+s25+$0x0] =	vst.idx.add.f32.msk $0xffff, v31  }
0x22d: {  	v31 =	vld [tilespmem:s2+$0x7B20];
	_ =	sdelay $0x1  }
0x22e: {  	v57 =	vor.u32 v23, v29;
	_ =	sdelay $0x2  }
0x22f: {  	v31 =	vmul.f32 v31, v30;
	_ =	sdelay $0x1  }
0x230: {  	[tilespmem:v57+s25+$0x0] =	vst.idx.add.f32.msk $0xffff, v31  }
0x231: {  	v31 =	vld [tilespmem:s2+$0x7B30];
	_ =	sdelay $0x1  }
0x232: {  	v58 =	vor.u32 v24, v29;
	_ =	sdelay $0x2  }
0x233: {  	v31 =	vmul.f32 v31, v30;
	_ =	sdelay $0x1  }
0x234: {  	[tilespmem:v58+s25+$0x0] =	vst.idx.add.f32.msk $0xffff, v31  }
0x235: {  	v31 =	vld [tilespmem:s2+$0x7B40];
	_ =	sdelay $0x1  }
0x236: {  	v59 =	vor.u32 v25, v29;
	_ =	sdelay $0x2  }
0x237: {  	v31 =	vmul.f32 v31, v30;
	_ =	sdelay $0x1  }
0x238: {  	[tilespmem:v59+s25+$0x0] =	vst.idx.add.f32.msk $0xffff, v31  }
0x239: {  	v31 =	vld [tilespmem:s2+$0x7B50];
	_ =	sdelay $0x1  }
0x23a: {  	v60 =	vor.u32 v26, v29;
	_ =	sdelay $0x2  }
0x23b: {  	v31 =	vmul.f32 v31, v30;
	_ =	sdelay $0x1  }
0x23c: {  	[tilespmem:v60+s25+$0x0] =	vst.idx.add.f32.msk $0xffff, v31  }
0x23d: {  	v31 =	vld [tilespmem:s2+$0x7B60];
	_ =	sdelay $0x1  }
0x23e: {  	v61 =	vor.u32 v27, v29;
	_ =	sdelay $0x2  }
0x23f: {  	v31 =	vmul.f32 v31, v30;
	_ =	sdelay $0x1  }
0x240: {  	[tilespmem:v61+s25+$0x0] =	vst.idx.add.f32.msk $0xffff, v31  }
0x241: {  	v31 =	vld [tilespmem:s2+$0x7B70];
	_ =	sdelay $0x1  }
0x242: {  	v29 =	vor.u32 v28, v29;
	_ =	sdelay $0x2  }
0x243: {  	p1 =	seq.s32 s0, $0x55;
	v30 =	vmul.f32 v31, v30  }
0x244: {  	s2 =	sshll.u32 @!p1 s0, $0x6  }
0x245: {  	s2 =	sand.u32 @!p1 $0x3FFFFFC0, s2;
	[tilespmem:v29+s25+$0x0] =	vst.idx.add.f32.msk $0xffff, v30  }
0x246: {  	v29 =	vld @!p1 [tilespmem:s2+$0x3440];
	_ =	sdelay $0x4  }
0x247: {  	v30 =	vshll.u32 @!p1 v29, $0x1  }
0x248: {  	v31 =	vlaneseq.u32 @!p1;
	v29 =	vand.u32 @!p1 $0x7, v29;
	v30 =	vand.u32 @!p1 $0xFFFFFFF0, v30  }
0x249: {  	v32 =	vshrl.u32 @!p1 v31, $0x3;
	v29 =	vor.u32 @!p1 v29, v30;
	v30 =	vand.u32 @!p1 $0x7, v31  }
0x24a: {  	v32 =	vmul.u32 @!p1 $0x8, v32;
	v33 =	vperm.xlane @!p1 v29, v30  }
0x24b: {  	v31 =	vor.u32 @!p1 $0x8, v31  }
0x24c: {  	v29 =	vperm.xlane @!p1 v29, v31;
	v33 =	vadd.s32 @!p1 v32, v33;
	_ =	sdelay $0x1  }
0x24d: {  	v29 =	vadd.s32 @!p1 v32, v29;
	_ =	sdelay $0x1  }
0x24e: {  	vm1 =	vmmov @!p1 $0xffff;
	s6 =	simm.s32 @!p1 $0x7700;
	s3 =	simm.s32 @!p1 $0x0  }
0x24f: {  	[tilespmem:s6], [sflag:$0x1] =	stream.indirect_vreg.gather @!p1 [hbm4b:s1+s3], $0x80, v33, vm1, $0xb8;
	[tilespmem:$0x1FF00] =	vst v63  }
0x250: {  	s6 =	simm.s32 @!p1 $0x7F00  }
0x251: {  	[tilespmem:s6], [sflag:$0x1] =	stream.indirect_vreg.gather @!p1 [hbm4b:s1+s3], $0x80, v29, vm1, $0xb8;
	[tilespmem:$0x1FF00] =	vst v63  }
0x252: {  	v29 =	vld @!p1 [tilespmem:s2+$0x3450];
	_ =	sdelay $0x4  }
0x253: {  	v33 =	vshll.u32 @!p1 v29, $0x1  }
0x254: {  	v29 =	vand.u32 @!p1 $0x7, v29;
	v33 =	vand.u32 @!p1 $0xFFFFFFF0, v33  }
0x255: {  	v29 =	vor.u32 @!p1 v29, v33  }
0x256: {  	v30 =	vperm.xlane @!p1 v29, v30;
	_ =	sdelay $0x1  }
0x257: {  	v29 =	vperm.xlane @!p1 v29, v31;
	v30 =	vadd.s32 @!p1 v32, v30;
	_ =	sdelay $0x1  }
0x258: {  	v29 =	vadd.s32 @!p1 v32, v29;
	_ =	sdelay $0x1  }
0x259: {  	s2 =	simm.s32 @!p1 $0x8700  }
0x25a: {  	[tilespmem:s2], [sflag:$0x1] =	stream.indirect_vreg.gather @!p1 [hbm4b:s1+s3], $0x80, v30, vm1, $0xb8;
	[tilespmem:$0x1FF00] =	vst v63  }
0x25b: {  	s2 =	simm.s32 @!p1 $0x8F00;
	v30 =	vmov s30  }
0x25c: {  	[tilespmem:s2], [sflag:$0x1] =	stream.indirect_vreg.gather @!p1 [hbm4b:s1+s3], $0x80, v29, vm1, $0xb8;
	[tilespmem:$0x1FF00] =	vst v63  }
0x25d: {  	_ =	swait.ge [sflag:s26], $0x2000  }
0x25e: {  	[sflag:s26] =	ssyncset.done $0x0  }
0x25f: {  	[sflag:s26] =	ssyncadd.s32 $0xFFFFE000  }
0x260: {  	v29 =	vld.idx.msk [tilespmem:v30+s14+$0x0], $0xffff;
	_ =	sdelay $0x2  }
0x261: {  	s2 =	simm.s32 $0x0  }
0x262: {  	s19 =	sand.u32 $0x1800, s2;
	s20 =	sand.u32 $0x380, s2  }
0x263: {  	s17 =	sor.u32 s20, s19;
	v62 =	vld.idx.msk [tilespmem:v30+s15+$0x0], $0xffff;
	v30 =	vshll.u32 v29, $0x8;
	v29 =	vshll.u32 v29, $0x7  }
0x264: {  	v31 =	vld [tilespmem:s17+$0x9700];
	v30 =	vand.u32 $0xFFFFF800, v30;
	v29 =	vand.u32 $0x380, v29  }
0x265: {  	v29 =	vor.u32 v29, v30  }
0x266: {  	v30 =	vor.u32 v2, v29;
	_ =	sdelay $0x2  }
0x267: {  	v31 =	vmul.f32 v31, v62;
	_ =	sdelay $0x1  }
0x268: {  	[tilespmem:v30+s25+$0x0] =	vst.idx.add.f32.msk $0xffff, v31  }
0x269: {  	v30 =	vld [tilespmem:s17+$0x9710];
	_ =	sdelay $0x1  }
0x26a: {  	v31 =	vor.u32 v14, v29;
	_ =	sdelay $0x2  }
0x26b: {  	v30 =	vmul.f32 v30, v62;
	_ =	sdelay $0x1  }
0x26c: {  	[tilespmem:v31+s25+$0x0] =	vst.idx.add.f32.msk $0xffff, v30  }
0x26d: {  	v30 =	vld [tilespmem:s17+$0x9720];
	_ =	sdelay $0x1  }
0x26e: {  	v31 =	vor.u32 v15, v29;
	_ =	sdelay $0x2  }
0x26f: {  	v30 =	vmul.f32 v30, v62;
	_ =	sdelay $0x1  }
0x270: {  	[tilespmem:v31+s25+$0x0] =	vst.idx.add.f32.msk $0xffff, v30  }
0x271: {  	v30 =	vld [tilespmem:s17+$0x9730];
	_ =	sdelay $0x1  }
0x272: {  	v31 =	vor.u32 v16, v29;
	_ =	sdelay $0x2  }
0x273: {  	v30 =	vmul.f32 v30, v62;
	_ =	sdelay $0x1  }
0x274: {  	[tilespmem:v31+s25+$0x0] =	vst.idx.add.f32.msk $0xffff, v30  }
0x275: {  	v30 =	vld [tilespmem:s17+$0x9740];
	_ =	sdelay $0x1  }
0x276: {  	v31 =	vor.u32 v17, v29;
	_ =	sdelay $0x2  }
0x277: {  	v30 =	vmul.f32 v30, v62;
	_ =	sdelay $0x1  }
0x278: {  	[tilespmem:v31+s25+$0x0] =	vst.idx.add.f32.msk $0xffff, v30  }
0x279: {  	v30 =	vld [tilespmem:s17+$0x9750];
	_ =	sdelay $0x1  }
0x27a: {  	v31 =	vor.u32 v18, v29;
	_ =	sdelay $0x2  }
0x27b: {  	v30 =	vmul.f32 v30, v62;
	_ =	sdelay $0x1  }
0x27c: {  	[tilespmem:v31+s25+$0x0] =	vst.idx.add.f32.msk $0xffff, v30  }
0x27d: {  	v30 =	vld [tilespmem:s17+$0x9760];
	_ =	sdelay $0x1  }
0x27e: {  	v31 =	vor.u32 v19, v29;
	_ =	sdelay $0x2  }
0x27f: {  	v30 =	vmul.f32 v30, v62;
	_ =	sdelay $0x1  }
0x280: {  	[tilespmem:v31+s25+$0x0] =	vst.idx.add.f32.msk $0xffff, v30  }
0x281: {  	v30 =	vld [tilespmem:s17+$0x9770];
	_ =	sdelay $0x1  }
0x282: {  	v31 =	vor.u32 v20, v29;
	_ =	sdelay $0x2  }
0x283: {  	v30 =	vmul.f32 v30, v62;
	_ =	sdelay $0x1  }
0x284: {  	[tilespmem:v31+s25+$0x0] =	vst.idx.add.f32.msk $0xffff, v30  }
0x285: {  	v30 =	vld [tilespmem:s17+$0x9B00];
	_ =	sdelay $0x1  }
0x286: {  	v31 =	vor.u32 v21, v29;
	_ =	sdelay $0x2  }
0x287: {  	v30 =	vmul.f32 v30, v62;
	_ =	sdelay $0x1  }
0x288: {  	[tilespmem:v31+s25+$0x0] =	vst.idx.add.f32.msk $0xffff, v30  }
0x289: {  	v30 =	vld [tilespmem:s17+$0x9B10];
	_ =	sdelay $0x1  }
0x28a: {  	v31 =	vor.u32 v22, v29;
	_ =	sdelay $0x2  }
0x28b: {  	v30 =	vmul.f32 v30, v62;
	_ =	sdelay $0x1  }
0x28c: {  	[tilespmem:v31+s25+$0x0] =	vst.idx.add.f32.msk $0xffff, v30  }
0x28d: {  	v30 =	vld [tilespmem:s17+$0x9B20];
	_ =	sdelay $0x1  }
0x28e: {  	v31 =	vor.u32 v23, v29;
	_ =	sdelay $0x2  }
0x28f: {  	v30 =	vmul.f32 v30, v62;
	_ =	sdelay $0x1  }
0x290: {  	[tilespmem:v31+s25+$0x0] =	vst.idx.add.f32.msk $0xffff, v30  }
0x291: {  	v30 =	vld [tilespmem:s17+$0x9B30];
	_ =	sdelay $0x1  }
0x292: {  	v31 =	vor.u32 v24, v29;
	_ =	sdelay $0x2  }
0x293: {  	v30 =	vmul.f32 v30, v62;
	_ =	sdelay $0x1  }
0x294: {  	[tilespmem:v31+s25+$0x0] =	vst.idx.add.f32.msk $0xffff, v30  }
0x295: {  	v30 =	vld [tilespmem:s17+$0x9B40];
	_ =	sdelay $0x1  }
0x296: {  	v31 =	vor.u32 v25, v29;
	_ =	sdelay $0x2  }
0x297: {  	v30 =	vmul.f32 v30, v62;
	_ =	sdelay $0x1  }
0x298: {  	[tilespmem:v31+s25+$0x0] =	vst.idx.add.f32.msk $0xffff, v30  }
0x299: {  	v30 =	vld [tilespmem:s17+$0x9B50];
	_ =	sdelay $0x1  }
0x29a: {  	v31 =	vor.u32 v26, v29;
	_ =	sdelay $0x2  }
0x29b: {  	v30 =	vmul.f32 v30, v62;
	_ =	sdelay $0x1  }
0x29c: {  	[tilespmem:v31+s25+$0x0] =	vst.idx.add.f32.msk $0xffff, v30  }
0x29d: {  	v30 =	vld [tilespmem:s17+$0x9B60];
	_ =	sdelay $0x1  }
0x29e: {  	v31 =	vor.u32 v27, v29;
	_ =	sdelay $0x2  }
0x29f: {  	v30 =	vmul.f32 v30, v62;
	_ =	sdelay $0x1  }
0x2a0: {  	[tilespmem:v31+s25+$0x0] =	vst.idx.add.f32.msk $0xffff, v30  }
0x2a1: {  	v63 =	vld [tilespmem:s17+$0x9B70];
	_ =	sdelay $0x1  }
0x2a2: {  	s18 =	sadd.s32 $0x1, s30;
	v31 =	vor.u32 v28, v29  }
0x2a3: {  	v30 =	vmov s18;
	_ =	sdelay $0x1  }
0x2a4: {  	s19 =	simm.s32 $0x200;
	s17 =	simm.s32 $0x100;
	v29 =	vmul.f32 v63, v62  }
.LBB2_15:
0x2a5: {  	p1 =	sne.s32 s19, $0x1F00  }
0x2a6: {  	s2 =	sadd.s32 $0x80, s2;
	s3 =	smov.u32 s19;
	s19 =	sadd.s32 $0x100, s19;
	[tilespmem:v31+s25+$0x0] =	vst.idx.add.f32.msk $0xffff, v29  }
0x2a7: {  	v31 =	vld.idx.msk [tilespmem:v30+s14+$0x0], $0xffff;
	_ =	sdelay $0x4  }
0x2a8: {  	s6 =	sand.u32 $0x1800, s17;
	s20 =	sand.u32 $0x380, s2;
	s17 =	smov.u32 s3  }
0x2a9: {  	s20 =	sor.u32 s20, s6;
	v29 =	vld.idx.msk [tilespmem:v30+s15+$0x0], $0xffff;
	v30 =	vshll.u32 v31, $0x8;
	v31 =	vshll.u32 v31, $0x7  }
0x2aa: {  	v32 =	vld [tilespmem:s20+$0x9700];
	v30 =	vand.u32 $0xFFFFF800, v30;
	v31 =	vand.u32 $0x380, v31  }
0x2ab: {  	v30 =	vor.u32 v31, v30  }
0x2ac: {  	v31 =	vor.u32 v2, v30;
	_ =	sdelay $0x2  }
0x2ad: {  	v32 =	vmul.f32 v32, v29;
	_ =	sdelay $0x1  }
0x2ae: {  	[tilespmem:v31+s25+$0x0] =	vst.idx.add.f32.msk $0xffff, v32  }
0x2af: {  	v31 =	vld [tilespmem:s20+$0x9710];
	_ =	sdelay $0x1  }
0x2b0: {  	v32 =	vor.u32 v14, v30;
	_ =	sdelay $0x2  }
0x2b1: {  	v31 =	vmul.f32 v31, v29;
	_ =	sdelay $0x1  }
0x2b2: {  	[tilespmem:v32+s25+$0x0] =	vst.idx.add.f32.msk $0xffff, v31  }
0x2b3: {  	v31 =	vld [tilespmem:s20+$0x9720];
	_ =	sdelay $0x1  }
0x2b4: {  	v32 =	vor.u32 v15, v30;
	_ =	sdelay $0x2  }
0x2b5: {  	v31 =	vmul.f32 v31, v29;
	_ =	sdelay $0x1  }
0x2b6: {  	[tilespmem:v32+s25+$0x0] =	vst.idx.add.f32.msk $0xffff, v31  }
0x2b7: {  	v31 =	vld [tilespmem:s20+$0x9730];
	_ =	sdelay $0x1  }
0x2b8: {  	v32 =	vor.u32 v16, v30;
	_ =	sdelay $0x2  }
0x2b9: {  	v31 =	vmul.f32 v31, v29;
	_ =	sdelay $0x1  }
0x2ba: {  	[tilespmem:v32+s25+$0x0] =	vst.idx.add.f32.msk $0xffff, v31  }
0x2bb: {  	v31 =	vld [tilespmem:s20+$0x9740];
	_ =	sdelay $0x1  }
0x2bc: {  	v32 =	vor.u32 v17, v30;
	_ =	sdelay $0x2  }
0x2bd: {  	v31 =	vmul.f32 v31, v29;
	_ =	sdelay $0x1  }
0x2be: {  	[tilespmem:v32+s25+$0x0] =	vst.idx.add.f32.msk $0xffff, v31  }
0x2bf: {  	v31 =	vld [tilespmem:s20+$0x9750];
	_ =	sdelay $0x1  }
0x2c0: {  	v32 =	vor.u32 v18, v30;
	_ =	sdelay $0x2  }
0x2c1: {  	v31 =	vmul.f32 v31, v29;
	_ =	sdelay $0x1  }
0x2c2: {  	[tilespmem:v32+s25+$0x0] =	vst.idx.add.f32.msk $0xffff, v31  }
0x2c3: {  	v31 =	vld [tilespmem:s20+$0x9760];
	_ =	sdelay $0x1  }
0x2c4: {  	v32 =	vor.u32 v19, v30;
	_ =	sdelay $0x2  }
0x2c5: {  	v31 =	vmul.f32 v31, v29;
	_ =	sdelay $0x1  }
0x2c6: {  	[tilespmem:v32+s25+$0x0] =	vst.idx.add.f32.msk $0xffff, v31  }
0x2c7: {  	v31 =	vld [tilespmem:s20+$0x9770];
	_ =	sdelay $0x1  }
0x2c8: {  	v32 =	vor.u32 v20, v30;
	_ =	sdelay $0x2  }
0x2c9: {  	v31 =	vmul.f32 v31, v29;
	_ =	sdelay $0x1  }
0x2ca: {  	[tilespmem:v32+s25+$0x0] =	vst.idx.add.f32.msk $0xffff, v31  }
0x2cb: {  	v31 =	vld [tilespmem:s20+$0x9B00];
	_ =	sdelay $0x1  }
0x2cc: {  	v32 =	vor.u32 v21, v30;
	_ =	sdelay $0x2  }
0x2cd: {  	v31 =	vmul.f32 v31, v29;
	_ =	sdelay $0x1  }
0x2ce: {  	[tilespmem:v32+s25+$0x0] =	vst.idx.add.f32.msk $0xffff, v31  }
0x2cf: {  	v31 =	vld [tilespmem:s20+$0x9B10];
	_ =	sdelay $0x1  }
0x2d0: {  	v32 =	vor.u32 v22, v30;
	_ =	sdelay $0x2  }
0x2d1: {  	v31 =	vmul.f32 v31, v29;
	_ =	sdelay $0x1  }
0x2d2: {  	[tilespmem:v32+s25+$0x0] =	vst.idx.add.f32.msk $0xffff, v31  }
0x2d3: {  	v31 =	vld [tilespmem:s20+$0x9B20];
	_ =	sdelay $0x1  }
0x2d4: {  	v32 =	vor.u32 v23, v30;
	_ =	sdelay $0x2  }
0x2d5: {  	v31 =	vmul.f32 v31, v29;
	_ =	sdelay $0x1  }
0x2d6: {  	[tilespmem:v32+s25+$0x0] =	vst.idx.add.f32.msk $0xffff, v31  }
0x2d7: {  	v31 =	vld [tilespmem:s20+$0x9B30];
	_ =	sdelay $0x1  }
0x2d8: {  	v32 =	vor.u32 v24, v30;
	_ =	sdelay $0x2  }
0x2d9: {  	v31 =	vmul.f32 v31, v29;
	_ =	sdelay $0x1  }
0x2da: {  	[tilespmem:v32+s25+$0x0] =	vst.idx.add.f32.msk $0xffff, v31  }
0x2db: {  	v31 =	vld [tilespmem:s20+$0x9B40];
	_ =	sdelay $0x1  }
0x2dc: {  	v32 =	vor.u32 v25, v30;
	_ =	sdelay $0x2  }
0x2dd: {  	v31 =	vmul.f32 v31, v29;
	_ =	sdelay $0x1  }
0x2de: {  	[tilespmem:v32+s25+$0x0] =	vst.idx.add.f32.msk $0xffff, v31  }
0x2df: {  	v31 =	vld [tilespmem:s20+$0x9B50];
	_ =	sdelay $0x1  }
0x2e0: {  	v32 =	vor.u32 v26, v30;
	_ =	sdelay $0x2  }
0x2e1: {  	v31 =	vmul.f32 v31, v29;
	_ =	sdelay $0x1  }
0x2e2: {  	[tilespmem:v32+s25+$0x0] =	vst.idx.add.f32.msk $0xffff, v31  }
0x2e3: {  	v31 =	vld [tilespmem:s20+$0x9B60];
	_ =	sdelay $0x1  }
0x2e4: {  	v32 =	vor.u32 v27, v30;
	_ =	sdelay $0x2  }
0x2e5: {  	v31 =	vmul.f32 v31, v29;
	_ =	sdelay $0x1  }
0x2e6: {  	[tilespmem:v32+s25+$0x0] =	vst.idx.add.f32.msk $0xffff, v31  }
0x2e7: {  	v32 =	vld [tilespmem:s20+$0x9B70]  }
.Ltmp6:
0x2e8: {  	(pc) =	sbr.rel @p1 .LBB2_15-.Ltmp6, $3  }
0x2e9: {  	s18 =	sadd.s32 $0x1, s18;
	v31 =	vor.u32 v28, v30  }
0x2ea: {  	v30 =	vmov s18;
	_ =	sdelay $0x1  }
0x2eb: {  	v29 =	vmul.f32 v32, v29  }
0x2ec: {  	_ =	sdelay $0x3  }
0x2ed: {  	[tilespmem:v31+s25+$0x0] =	vst.idx.add.f32.msk $0xffff, v29  }
0x2ee: {  	v29 =	vld.idx.msk [tilespmem:v30+s14+$0x0], $0xffff;
	_ =	sdelay $0x2  }
0x2ef: {  	s2 =	sadd.s32 $0x80, s2  }
0x2f0: {  	s3 =	sand.u32 $0x1800, s17;
	s2 =	sand.u32 $0x380, s2  }
0x2f1: {  	v62 =	vld.idx.msk [tilespmem:v30+s15+$0x0], $0xffff;
	s2 =	sor.u32 s2, s3;
	v63 =	vshll.u32 v29, $0x8;
	v29 =	vshll.u32 v29, $0x7  }
0x2f2: {  	v32 =	vld [tilespmem:s2+$0x9700];
	v31 =	vand.u32 $0xFFFFF800, v63;
	v29 =	vand.u32 $0x380, v29  }
0x2f3: {  	v29 =	vor.u32 v29, v31  }
0x2f4: {  	v31 =	vor.u32 v2, v29;
	_ =	sdelay $0x2  }
0x2f5: {  	v32 =	vmul.f32 v32, v62;
	_ =	sdelay $0x1  }
0x2f6: {  	[tilespmem:v31+s25+$0x0] =	vst.idx.add.f32.msk $0xffff, v32  }
0x2f7: {  	v31 =	vld [tilespmem:s2+$0x9710];
	_ =	sdelay $0x1  }
0x2f8: {  	v14 =	vor.u32 v14, v29;
	_ =	sdelay $0x2  }
0x2f9: {  	v31 =	vmul.f32 v31, v62;
	_ =	sdelay $0x1  }
0x2fa: {  	[tilespmem:v14+s25+$0x0] =	vst.idx.add.f32.msk $0xffff, v31  }
0x2fb: {  	v14 =	vld [tilespmem:s2+$0x9720];
	_ =	sdelay $0x1  }
0x2fc: {  	v15 =	vor.u32 v15, v29;
	_ =	sdelay $0x2  }
0x2fd: {  	v14 =	vmul.f32 v14, v62;
	_ =	sdelay $0x1  }
0x2fe: {  	[tilespmem:v15+s25+$0x0] =	vst.idx.add.f32.msk $0xffff, v14  }
0x2ff: {  	v14 =	vld [tilespmem:s2+$0x9730];
	_ =	sdelay $0x1  }
0x300: {  	v15 =	vor.u32 v16, v29;
	_ =	sdelay $0x2  }
0x301: {  	v14 =	vmul.f32 v14, v62;
	_ =	sdelay $0x1  }
0x302: {  	[tilespmem:v15+s25+$0x0] =	vst.idx.add.f32.msk $0xffff, v14  }
0x303: {  	v14 =	vld [tilespmem:s2+$0x9740];
	_ =	sdelay $0x1  }
0x304: {  	v15 =	vor.u32 v17, v29;
	_ =	sdelay $0x2  }
0x305: {  	v14 =	vmul.f32 v14, v62;
	_ =	sdelay $0x1  }
0x306: {  	[tilespmem:v15+s25+$0x0] =	vst.idx.add.f32.msk $0xffff, v14  }
0x307: {  	v14 =	vld [tilespmem:s2+$0x9750];
	_ =	sdelay $0x1  }
0x308: {  	v15 =	vor.u32 v18, v29;
	_ =	sdelay $0x2  }
0x309: {  	v14 =	vmul.f32 v14, v62;
	_ =	sdelay $0x1  }
0x30a: {  	[tilespmem:v15+s25+$0x0] =	vst.idx.add.f32.msk $0xffff, v14  }
0x30b: {  	v14 =	vld [tilespmem:s2+$0x9760];
	_ =	sdelay $0x1  }
0x30c: {  	v15 =	vor.u32 v19, v29;
	_ =	sdelay $0x2  }
0x30d: {  	v14 =	vmul.f32 v14, v62;
	_ =	sdelay $0x1  }
0x30e: {  	[tilespmem:v15+s25+$0x0] =	vst.idx.add.f32.msk $0xffff, v14  }
0x30f: {  	v14 =	vld [tilespmem:s2+$0x9770];
	_ =	sdelay $0x1  }
0x310: {  	v15 =	vor.u32 v20, v29;
	_ =	sdelay $0x2  }
0x311: {  	v14 =	vmul.f32 v14, v62;
	_ =	sdelay $0x1  }
0x312: {  	[tilespmem:v15+s25+$0x0] =	vst.idx.add.f32.msk $0xffff, v14  }
0x313: {  	v14 =	vld [tilespmem:s2+$0x9B00];
	_ =	sdelay $0x1  }
0x314: {  	v15 =	vor.u32 v21, v29;
	_ =	sdelay $0x2  }
0x315: {  	v14 =	vmul.f32 v14, v62;
	_ =	sdelay $0x1  }
0x316: {  	[tilespmem:v15+s25+$0x0] =	vst.idx.add.f32.msk $0xffff, v14  }
0x317: {  	v14 =	vld [tilespmem:s2+$0x9B10];
	_ =	sdelay $0x1  }
0x318: {  	v15 =	vor.u32 v22, v29;
	_ =	sdelay $0x2  }
0x319: {  	v14 =	vmul.f32 v14, v62;
	_ =	sdelay $0x1  }
0x31a: {  	[tilespmem:v15+s25+$0x0] =	vst.idx.add.f32.msk $0xffff, v14  }
0x31b: {  	v14 =	vld [tilespmem:s2+$0x9B20];
	_ =	sdelay $0x1  }
0x31c: {  	v15 =	vor.u32 v23, v29;
	_ =	sdelay $0x2  }
0x31d: {  	v14 =	vmul.f32 v14, v62;
	_ =	sdelay $0x1  }
0x31e: {  	[tilespmem:v15+s25+$0x0] =	vst.idx.add.f32.msk $0xffff, v14  }
0x31f: {  	v14 =	vld [tilespmem:s2+$0x9B30];
	_ =	sdelay $0x1  }
0x320: {  	v15 =	vor.u32 v24, v29;
	_ =	sdelay $0x2  }
0x321: {  	v14 =	vmul.f32 v14, v62;
	_ =	sdelay $0x1  }
0x322: {  	[tilespmem:v15+s25+$0x0] =	vst.idx.add.f32.msk $0xffff, v14  }
0x323: {  	v14 =	vld [tilespmem:s2+$0x9B40];
	_ =	sdelay $0x1  }
0x324: {  	v15 =	vor.u32 v25, v29;
	_ =	sdelay $0x2  }
0x325: {  	v14 =	vmul.f32 v14, v62;
	_ =	sdelay $0x1  }
0x326: {  	[tilespmem:v15+s25+$0x0] =	vst.idx.add.f32.msk $0xffff, v14  }
0x327: {  	v14 =	vld [tilespmem:s2+$0x9B50];
	_ =	sdelay $0x1  }
0x328: {  	v15 =	vor.u32 v26, v29;
	_ =	sdelay $0x2  }
0x329: {  	v14 =	vmul.f32 v14, v62;
	_ =	sdelay $0x1  }
0x32a: {  	[tilespmem:v15+s25+$0x0] =	vst.idx.add.f32.msk $0xffff, v14  }
0x32b: {  	v14 =	vld [tilespmem:s2+$0x9B60];
	_ =	sdelay $0x1  }
0x32c: {  	v15 =	vor.u32 v27, v29;
	_ =	sdelay $0x2  }
0x32d: {  	v14 =	vmul.f32 v14, v62;
	_ =	sdelay $0x1  }
0x32e: {  	[tilespmem:v15+s25+$0x0] =	vst.idx.add.f32.msk $0xffff, v14  }
0x32f: {  	v14 =	vld [tilespmem:s2+$0x9B70]  }
0x330: {  	s0 =	sadd.s32 $0x1, s0  }
0x331: {  	p1 =	sne.s32 s0, $0x56;
	v15 =	vor.u32 v28, v29  }
.Ltmp7:
0x332: {  	_ = 	snop;
	(pc) =	sbr.rel @p1 .LBB2_12-.Ltmp7, $3  }
0x333: {  	_ = 	snop  }
0x334: {  	v14 =	vmul.f32 v14, v62;
	_ =	sdelay $0x1  }
0x335: {  	s31 =	sadd.s32 $0x40, s31;
	s30 =	sadd.s32 $0x40, s30;
	[tilespmem:v15+s25+$0x0] =	vst.idx.add.f32.msk $0xffff, v14  }
0x336: {  	s0 =	simm.s32 @p0 $0x0;
	s2 =	simm.s32 @p0 $0xB700;
	s3 =	rddreg [dreg:$0x4]  }
0x337: {  	[hbm4b:s3+s0] =	stream.linear.scatter @p0 [tilespmem:s2], [sflag:$0x5], $0x14000, $0x38;
	[tilespmem:$0x1FF00] =	vst v63  }
0x338: {  	s0 =	simm.s32 @p0 $0x5  }
0x339: {  	_ =	swait.ge @p0 [sflag:s0], $0x14000  }
0x33a: {  	s28 =	sadd.s32 $0x1, s28;
	s2 =	simm.s32 @!p0 $0xB700;
	[sflag:s0] =	ssyncset.done @p0 $0x0  }
0x33b: {  	p1 =	sne.s32 s28, s8;
	[sflag:s0] =	ssyncadd.s32 @p0 $0xFFFEC000;
	s0 =	simm.s32 @!p0 $0x0  }
0x33c: {  	[hbm4b:s7+s0] =	stream.linear.scatter @!p0 [tilespmem:s2], [sflag:$0x5], $0x5000, $0x38;
	[tilespmem:$0x1FF00] =	vst v63  }
.Ltmp8:
0x33d: {  	_ = 	snop;
	(pc) =	sbr.rel @p1 .LBB2_1-.Ltmp8, $4  }
0x33e: {  	s0 =	simm.s32 @!p0 $0x5  }
0x33f: {  	_ =	swait.ge @!p0 [sflag:s0], $0x5000  }
0x340: {  	[sflag:s0] =	ssyncset.done @!p0 $0x0  }
0x341: {  	[sflag:s0] =	ssyncadd.s32 @!p0 $0xFFFFB000  }
0x342: {  	_ =	sfence.sel $0x180000  }
0x343: {  	[bflag:$0x0] =	sbarrier.arrive $0xFFFF  }
0x344: {  	_ =	strace $0x90000047  }
0x345: {  	s0 =	stileid.u32;
	[bflag:$0x2] =	sbarrier.arrive $0xFFFF  }
0x346: {  	p0 =	sne.s32 s0, $0x0;
	s0 =	rddreg [dreg:$0x3]  }
0x347: {  	s0 =	sadd.s32 @!p0 $0x100000, s0  }
0x348: {  	[sflag:s0] =	ssyncadd.tile.s32 @!p0 $0x1;
	_ =	shalt  }
.Lfunc_end2:
_tile_overlayer_lowered:
.L_overlay_start_2:
0x349: {  	(tag) =	ssettag $0x2  }
0x34a: {  	s0 =	rddreg [dreg:$0x0];
	s2 =	stileid.u32  }
0x34b: {  	s1 =	rddreg [dreg:$0x1];
	p0 =	sne.s32 s2, $0x0  }
0x34c: {  	s3 =	rddreg [dreg:$0x2];
	[bflag:$0x3] =	sbarrier.arrive $0xFFFF;
	s2 =	simm.s32 @!p0 $0x1C05  }
0x34d: {  	[timem:s3], [sflag:s2] =	dma.local @!p0 [hbm:s0], s1  }
0x34e: {  	s0 =	simm.s32 @!p0 $0x5  }
0x34f: {  	_ =	swait.ge @!p0 [sflag:s0], s1  }
0x350: {  	s1 =	ssub.s32 @!p0 $0x0, s1;
	[sflag:s0] =	ssyncset.done @!p0 $0x0  }
0x351: {  	[sflag:s0] =	ssyncadd.s32 @!p0 s1  }
0x352: {  	[bflag:$0x3] =	sbarrier.arrive $0xFFFF  }
0x353: {  	_ =	shalt  }

</sc_bundles>
